<compile_context>
chip_gen: v7x
topology: tpu7x:2x2x1
jax: 0.10.2.dev20260603
libtpu: 0.0.44.dev20260713+nightly
codegen_flags: <defaults>
</compile_context>

<pallas_src>
import functools

import jax
import jax.numpy as jnp
from jax import lax
from jax.experimental import pallas as pl
from jax.experimental.pallas import tpu as pltpu
from jax.experimental.pallas import tpu_sc as plsc

N = 10000
D = 128
R = 8
NPAD = 10016
NC, NS = 2, 16
NW = NC * NS
B = 128
ROWBLK = 1000


def _enc_body(x_ref, w_ref, b_ref, rw_ref, h0_ref, z_ref):
    h = jnp.maximum(
        jnp.dot(x_ref[...], w_ref[...], preferred_element_type=jnp.float32)
        + b_ref[...], 0.0)
    h0_ref[...] = h
    for r in range(R):
        zr = jnp.dot(h, rw_ref[r], preferred_element_type=jnp.float32)
        z_ref[0, r] = zr[:, :D // 2]
        z_ref[1, r] = zr[:, D // 2:]


def _encode(x, W_enc, b_enc, rel_weight):
    nblk = N // ROWBLK
    return pl.pallas_call(
        _enc_body,
        grid=(nblk,),
        in_specs=[
            pl.BlockSpec((ROWBLK, D), lambda i: (i, 0)),
            pl.BlockSpec((D, D), lambda i: (0, 0)),
            pl.BlockSpec((1, D), lambda i: (0, 0)),
            pl.BlockSpec((R, D, D), lambda i: (0, 0, 0)),
        ],
        out_specs=[
            pl.BlockSpec((ROWBLK, D), lambda i: (i, 0)),
            pl.BlockSpec((2, R, ROWBLK, D // 2), lambda i: (0, 0, i, 0)),
        ],
        out_shape=[
            jax.ShapeDtypeStruct((N, D), jnp.float32),
            jax.ShapeDtypeStruct((2, R, N, D // 2), jnp.float32),
        ],
    )(x, W_enc, b_enc.reshape(1, D), rel_weight)


def _make_prep(er, rows_, cols):
    def body(s_ref, d_ref, e_ref, g_ref, dp_ref):
        g_ref[:er] = e_ref[...] * N + s_ref[...]
        dp_ref[:er] = d_ref[...]
        if rows_ > er:
            g_ref[er:] = jnp.zeros((rows_ - er, cols), jnp.int32)
            dp_ref[er:] = jnp.full((rows_ - er, cols), NPAD - 1, jnp.int32)

    return pl.pallas_call(
        body,
        out_shape=[jax.ShapeDtypeStruct((rows_, cols), jnp.int32),
                   jax.ShapeDtypeStruct((rows_, cols), jnp.int32)],
    )


def _make_edge_scatter(nt):
    mesh = plsc.VectorSubcoreMesh(core_axis_name="c", subcore_axis_name="s")
    stripe = NPAD // NS
    H = D // 2

    @functools.partial(
        pl.kernel,
        out_type=jax.ShapeDtypeStruct((NC, NPAD, H), jnp.float32),
        mesh=mesh,
        compiler_params=pltpu.CompilerParams(use_tc_tiling_on_sc=False),
        scratch_types=[
            pltpu.VMEM((nt, B), jnp.int32),
            pltpu.VMEM((nt, B), jnp.int32),
            pltpu.VMEM((4, B, H), jnp.float32),
            pltpu.VMEM_SHARED((NPAD, H), jnp.float32),
            pltpu.SemaphoreType.DMA((4,)),
        ],
    )
    def k(z_hbm, gidx_hbm, dst_hbm, zero_hbm, out_hbm,
          gidx_v, dst_v, ring, acc, sem):
        c = lax.axis_index("c")
        s = lax.axis_index("s")
        pltpu.sync_copy(gidx_hbm.at[s], gidx_v)
        pltpu.sync_copy(dst_hbm.at[s], dst_v)
        pltpu.sync_copy(zero_hbm, acc.at[pl.ds(s * stripe, stripe)])
        plsc.subcore_barrier()

        def gfire(t, j):
            pltpu.async_copy(z_hbm.at[c].at[gidx_v.at[t]], ring.at[j],
                             sem.at[j])

        def gdrain(t, j):
            pltpu.make_async_copy(z_hbm.at[c].at[gidx_v.at[t]], ring.at[j],
                                  sem.at[j]).wait()

        def scat(t, j):
            pltpu.sync_copy(ring.at[j], acc.at[dst_v.at[t]], add=True)

        for j in range(4):
            gfire(j, j)

        def body(i, carry):
            t = 4 * i
            for j in range(4):
                gdrain(t + j, j)
                scat(t + j, j)
                gfire(t + 4 + j, j)
            return carry

        lax.fori_loop(0, nt // 4 - 1, body, 0)
        t = nt - 4
        for j in range(4):
            gdrain(t + j, j)
            scat(t + j, j)

        plsc.subcore_barrier()
        pltpu.sync_copy(acc.at[pl.ds(s * stripe, stripe)],
                        out_hbm.at[c, pl.ds(s * stripe, stripe)])

    return k


def _final_body(h0_ref, p0_ref, p1_ref, lw_ref, b_ref, o_ref):
    h0 = h0_ref[...]
    agg = jnp.concatenate([p0_ref[0], p1_ref[0]], axis=-1)
    h1 = jnp.maximum(
        agg + jnp.dot(h0, lw_ref[...], preferred_element_type=jnp.float32)
        + b_ref[...], 0.0)
    o_ref[...] = h0 + h1


def _finalize(h0, P, loop_weight, h_bias):
    nblk = N // ROWBLK
    return pl.pallas_call(
        _final_body,
        grid=(nblk,),
        in_specs=[
            pl.BlockSpec((ROWBLK, D), lambda i: (i, 0)),
            pl.BlockSpec((1, ROWBLK, D // 2), lambda i: (0, i, 0)),
            pl.BlockSpec((1, ROWBLK, D // 2), lambda i: (1, i, 0)),
            pl.BlockSpec((D, D), lambda i: (0, 0)),
            pl.BlockSpec((1, D), lambda i: (0, 0)),
        ],
        out_specs=pl.BlockSpec((ROWBLK, D), lambda i: (i, 0)),
        out_shape=jax.ShapeDtypeStruct((N, D), jnp.float32),
    )(h0, P, P, loop_weight, h_bias.reshape(1, D))


def kernel(edge_index, node_features, edgetypes, W_enc, b_enc,
           rel_weight, loop_weight, h_bias):
    E = edge_index.shape[1]
    h0, Z = _encode(node_features, W_enc, b_enc, rel_weight)
    Z2 = Z.reshape(NC, R * N, D // 2)

    per_tile = -(-E // (NS * 4 * B)) * 4 * B
    e_pad = per_tile * NS
    zeros = jnp.zeros((NPAD // NS, D // 2), jnp.float32)

    nt = per_tile // B
    gidx, dstp = _make_prep(E // 512, e_pad // 512, 512)(
        edge_index[0].reshape(E // 512, 512),
        edge_index[1].reshape(E // 512, 512),
        edgetypes.reshape(E // 512, 512))
    gidx3 = gidx.reshape(NS, nt, B)
    dst3 = dstp.reshape(NS, nt, B)
    P = _make_edge_scatter(nt)(Z2, gidx3, dst3, zeros)
    return _finalize(h0, P, loop_weight, h_bias)

# --- scband reference (transcript-rebuilt; emitter-appended) ---
"""Pipeline reference for scband-rgcn-69441031242040 (READ-ONLY COPY).

The authoritative reference and input builder live on the scoring server;
editing this copy changes nothing except your own understanding.
"""

import jax, jax.numpy as jnp
import numpy as np

N = 10000
E = 320000
D = 128
R = 8


def setup_inputs(seed: int = 0) -> dict:
    key = jax.random.key(seed)
    ks = jax.random.split(key, 8)
    edge_index = jax.random.randint(ks[0], (2, E), 0, N)
    node_features = jax.random.normal(ks[1], (N, D), dtype=jnp.float32)
    edgetypes = jax.random.randint(ks[2], (E,), 0, R)
    # encoder mlp(in_dim, [out_dim], last_relu=True): single Linear + ReLU
    W_enc = jax.random.normal(ks[3], (D, D), dtype=jnp.float32) * 0.05
    b_enc = jnp.zeros((D,), dtype=jnp.float32)
    # RelGraphConv parameters (num_bases=-1 -> full per-relation weights)
    rel_weight = jax.random.normal(ks[4], (R, D, D), dtype=jnp.float32) * 0.05
    loop_weight = jax.random.normal(ks[5], (D, D), dtype=jnp.float32) * 0.05
    h_bias = jnp.zeros((D,), dtype=jnp.float32)
    return {
        'edge_index': edge_index,
        'node_features': node_features,
        'edgetypes': edgetypes,
        'W_enc': W_enc,
        'b_enc': b_enc,
        'rel_weight': rel_weight,
        'loop_weight': loop_weight,
        'h_bias': h_bias,
    }


def reference(edge_index, node_features, edgetypes, W_enc, b_enc, rel_weight, loop_weight, h_bias):
    # encoder: h0 = ReLU(x @ W_enc + b_enc)
    h0 = jax.nn.relu(node_features @ W_enc + b_enc)
    src = edge_index[0]
    dst = edge_index[1]
    n_nodes = h0.shape[0]
    num_rels = rel_weight.shape[0]
    # RelGraphConv: per-edge message h_src @ W_{etype}, sum-aggregated at dst.
    # Message is linear, so segment-sum the masked gathered features per relation,
    # then apply the relation weight (mathematically identical, low memory).
    h_src = jnp.take(h0, src, axis=0)
    agg = jnp.zeros((n_nodes, rel_weight.shape[2]), dtype=jnp.float32)
    for r in range(num_rels):
        mask = (edgetypes == r)[:, None]
        agg_r = jax.ops.segment_sum(jnp.where(mask, h_src, 0.0), dst, num_segments=n_nodes)
        agg = agg + agg_r @ rel_weight[r]
    # self-loop + bias + activation (final_activation = ReLU); dropout p=0
    h1 = jax.nn.relu(agg + h0 @ loop_weight + h_bias)
    # residual connection: output = output + h1
    return h0 + h1

if __name__ == "__main__":
    import jax
    _d = setup_inputs()
    print(jax.jit(kernel)(*tuple(_d.values())))

</pallas_src>

<mosaic_0001>
#map = affine_map<(d0, d1) -> (0, 0, 0)>
#map1 = affine_map<(d0, d1) -> (0, 0)>
module attributes {stable_mosaic.version = 14 : i64} {
  func.func @k(%arg0: i32, %arg1: i32, %arg2: memref<2x80000x64xf32, #tpu.memory_space<hbm>>, %arg3: memref<16x160x128xi32, #tpu.memory_space<hbm>>, %arg4: memref<16x160x128xi32, #tpu.memory_space<hbm>>, %arg5: memref<626x64xf32, #tpu.memory_space<hbm>>, %arg6: memref<2x10016x64xf32, #tpu.memory_space<hbm>>, %arg7: memref<160x128xi32, #tpu.memory_space<vmem>>, %arg8: memref<160x128xi32, #tpu.memory_space<vmem>>, %arg9: memref<4x128x64xf32, #tpu.memory_space<vmem>>, %arg10: memref<10016x64xf32, #tpu.memory_space<vmem_shared>>, %arg11: memref<4x!tpu.dma_semaphore, #tpu.memory_space<semaphore_mem>>) attributes {dimension_semantics = [#tpu.dimension_semantics<core_parallel>, #tpu.dimension_semantics<subcore_parallel>], iteration_bounds = array<i64: 2, 16>, scalar_prefetch = 0 : i64, scratch_operands = 5 : i64, tpu.core_type = #tpu.core_type<sc_vector_subcore>, window_params = [{transform_indices = #map}, {transform_indices = #map}, {transform_indices = #map}, {transform_indices = #map1}, {transform_indices = #map}]} {
    "tpu.region"() ({
      %run_scoped3A_168 = tpu.sem_alloc : memref<!tpu.dma_semaphore, #tpu.memory_space<semaphore_mem>>
      %dma_start3A_169 = arith.constant 0 : i32
      %dma_start3A_170 = arith.constant 0 : i32
      %dma_start3A_171 = tpu.memref_slice %arg3[%arg1, %dma_start3A_169, %dma_start3A_170] : memref<16x160x128xi32, #tpu.memory_space<hbm>> -> memref<1x160x128xi32, #tpu.memory_space<hbm>>
      %dma_start3A_172 = tpu.memref_squeeze %dma_start3A_171 : memref<1x160x128xi32, #tpu.memory_space<hbm>> -> memref<160x128xi32, #tpu.memory_space<hbm>>
      %dma_start3A_173 = arith.constant 0 : i32
      %dma_start3A_174 = arith.constant 0 : i32
      %dma_start3A_175 = tpu.memref_slice %arg3[%arg1, %dma_start3A_173, %dma_start3A_174] : memref<16x160x128xi32, #tpu.memory_space<hbm>> -> memref<1x160x128xi32, #tpu.memory_space<hbm>>
      %dma_start3A_176 = tpu.memref_squeeze %dma_start3A_175 : memref<1x160x128xi32, #tpu.memory_space<hbm>> -> memref<160x128xi32, #tpu.memory_space<hbm>>
      tpu.enqueue_dma source(%dma_start3A_176 : memref<160x128xi32, #tpu.memory_space<hbm>>) target(%arg7 : memref<160x128xi32, #tpu.memory_space<vmem>>) target_semaphore(%run_scoped3A_168 : memref<!tpu.dma_semaphore, #tpu.memory_space<semaphore_mem>>)
      %dma_wait3A_177 = arith.constant 0 : i32
      %dma_wait3A_178 = arith.constant 0 : i32
      %dma_wait3A_179 = tpu.memref_slice %arg3[%arg1, %dma_wait3A_177, %dma_wait3A_178] : memref<16x160x128xi32, #tpu.memory_space<hbm>> -> memref<1x160x128xi32, #tpu.memory_space<hbm>>
      %dma_wait3A_180 = tpu.memref_squeeze %dma_wait3A_179 : memref<1x160x128xi32, #tpu.memory_space<hbm>> -> memref<160x128xi32, #tpu.memory_space<hbm>>
      %dma_wait3A_181 = arith.constant 0 : i32
      %dma_wait3A_182 = arith.constant 0 : i32
      %dma_wait3A_183 = tpu.memref_slice %arg3[%arg1, %dma_wait3A_181, %dma_wait3A_182] : memref<16x160x128xi32, #tpu.memory_space<hbm>> -> memref<1x160x128xi32, #tpu.memory_space<hbm>>
      %dma_wait3A_184 = tpu.memref_squeeze %dma_wait3A_183 : memref<1x160x128xi32, #tpu.memory_space<hbm>> -> memref<160x128xi32, #tpu.memory_space<hbm>>
      tpu.wait_dma2 semaphore(%run_scoped3A_168 : memref<!tpu.dma_semaphore, #tpu.memory_space<semaphore_mem>>) src(%dma_wait3A_184 : memref<160x128xi32, #tpu.memory_space<hbm>>) dst(%arg7 : memref<160x128xi32, #tpu.memory_space<vmem>>)
      tpu.yield
    }) : () -> ()
    "tpu.region"() ({
      %run_scoped3A_168 = tpu.sem_alloc : memref<!tpu.dma_semaphore, #tpu.memory_space<semaphore_mem>>
      %dma_start3A_169 = arith.constant 0 : i32
      %dma_start3A_170 = arith.constant 0 : i32
      %dma_start3A_171 = tpu.memref_slice %arg4[%arg1, %dma_start3A_169, %dma_start3A_170] : memref<16x160x128xi32, #tpu.memory_space<hbm>> -> memref<1x160x128xi32, #tpu.memory_space<hbm>>
      %dma_start3A_172 = tpu.memref_squeeze %dma_start3A_171 : memref<1x160x128xi32, #tpu.memory_space<hbm>> -> memref<160x128xi32, #tpu.memory_space<hbm>>
      %dma_start3A_173 = arith.constant 0 : i32
      %dma_start3A_174 = arith.constant 0 : i32
      %dma_start3A_175 = tpu.memref_slice %arg4[%arg1, %dma_start3A_173, %dma_start3A_174] : memref<16x160x128xi32, #tpu.memory_space<hbm>> -> memref<1x160x128xi32, #tpu.memory_space<hbm>>
      %dma_start3A_176 = tpu.memref_squeeze %dma_start3A_175 : memref<1x160x128xi32, #tpu.memory_space<hbm>> -> memref<160x128xi32, #tpu.memory_space<hbm>>
      tpu.enqueue_dma source(%dma_start3A_176 : memref<160x128xi32, #tpu.memory_space<hbm>>) target(%arg8 : memref<160x128xi32, #tpu.memory_space<vmem>>) target_semaphore(%run_scoped3A_168 : memref<!tpu.dma_semaphore, #tpu.memory_space<semaphore_mem>>)
      %dma_wait3A_177 = arith.constant 0 : i32
      %dma_wait3A_178 = arith.constant 0 : i32
      %dma_wait3A_179 = tpu.memref_slice %arg4[%arg1, %dma_wait3A_177, %dma_wait3A_178] : memref<16x160x128xi32, #tpu.memory_space<hbm>> -> memref<1x160x128xi32, #tpu.memory_space<hbm>>
      %dma_wait3A_180 = tpu.memref_squeeze %dma_wait3A_179 : memref<1x160x128xi32, #tpu.memory_space<hbm>> -> memref<160x128xi32, #tpu.memory_space<hbm>>
      %dma_wait3A_181 = arith.constant 0 : i32
      %dma_wait3A_182 = arith.constant 0 : i32
      %dma_wait3A_183 = tpu.memref_slice %arg4[%arg1, %dma_wait3A_181, %dma_wait3A_182] : memref<16x160x128xi32, #tpu.memory_space<hbm>> -> memref<1x160x128xi32, #tpu.memory_space<hbm>>
      %dma_wait3A_184 = tpu.memref_squeeze %dma_wait3A_183 : memref<1x160x128xi32, #tpu.memory_space<hbm>> -> memref<160x128xi32, #tpu.memory_space<hbm>>
      tpu.wait_dma2 semaphore(%run_scoped3A_168 : memref<!tpu.dma_semaphore, #tpu.memory_space<semaphore_mem>>) src(%dma_wait3A_184 : memref<160x128xi32, #tpu.memory_space<hbm>>) dst(%arg8 : memref<160x128xi32, #tpu.memory_space<vmem>>)
      tpu.yield
    }) : () -> ()
    %mul3A = arith.constant 626 : i32
    %mul3A_0 = arith.muli %arg1, %mul3A : i32
    "tpu.region"() ({
      %run_scoped3A_168 = tpu.sem_alloc : memref<!tpu.dma_semaphore, #tpu.memory_space<semaphore_mem>>
      %dma_start3A_169 = arith.constant 0 : i32
      %dma_start3A_170 = tpu.memref_slice %arg10[%mul3A_0, %dma_start3A_169] : memref<10016x64xf32, #tpu.memory_space<vmem_shared>> -> memref<626x64xf32, #tpu.memory_space<vmem_shared>>
      tpu.enqueue_dma source(%arg5 : memref<626x64xf32, #tpu.memory_space<hbm>>) target(%dma_start3A_170 : memref<626x64xf32, #tpu.memory_space<vmem_shared>>) target_semaphore(%run_scoped3A_168 : memref<!tpu.dma_semaphore, #tpu.memory_space<semaphore_mem>>)
      %dma_wait3A_171 = arith.constant 0 : i32
      %dma_wait3A_172 = tpu.memref_slice %arg10[%mul3A_0, %dma_wait3A_171] : memref<10016x64xf32, #tpu.memory_space<vmem_shared>> -> memref<626x64xf32, #tpu.memory_space<vmem_shared>>
      tpu.wait_dma2 semaphore(%run_scoped3A_168 : memref<!tpu.dma_semaphore, #tpu.memory_space<semaphore_mem>>) src(%arg5 : memref<626x64xf32, #tpu.memory_space<hbm>>) dst(%dma_wait3A_172 : memref<626x64xf32, #tpu.memory_space<vmem_shared>>)
      tpu.yield
    }) : () -> ()
    %barrier3A = arith.constant 0 : index
    tpu.barrier barrier_id(%barrier3A)
    %dma_start3A = arith.constant 0 : i32
    %dma_start3A_1 = arith.constant 0 : i32
    %dma_start3A_2 = arith.constant 0 : i32
    %dma_start3A_3 = arith.constant 0 : i32
    %dma_start3A_4 = arith.constant 0 : i32
    %dma_start3A_5 = tpu.memref_slice %arg9[%dma_start3A_1, %dma_start3A_3, %dma_start3A_4] : memref<4x128x64xf32, #tpu.memory_space<vmem>> -> memref<1x128x64xf32, #tpu.memory_space<vmem>>
    %dma_start3A_6 = tpu.memref_squeeze %dma_start3A_5 : memref<1x128x64xf32, #tpu.memory_space<vmem>> -> memref<128x64xf32, #tpu.memory_space<vmem>>
    %dma_start3A_7 = arith.constant 0 : i32
    %dma_start3A_8 = tpu.memref_slice %arg7[%dma_start3A, %dma_start3A_7] : memref<160x128xi32, #tpu.memory_space<vmem>> -> memref<1x128xi32, #tpu.memory_space<vmem>>
    %dma_start3A_9 = tpu.memref_squeeze %dma_start3A_8 : memref<1x128xi32, #tpu.memory_space<vmem>> -> memref<128xi32, #tpu.memory_space<vmem>>
    %dma_start3A_10 = arith.constant 0 : i32
    %dma_start3A_11 = arith.constant 0 : i32
    %dma_start3A_12 = tpu.memref_slice %arg2[%arg0, %dma_start3A_10, %dma_start3A_11] : memref<2x80000x64xf32, #tpu.memory_space<hbm>> -> memref<1x80000x64xf32, #tpu.memory_space<hbm>>
    %dma_start3A_13 = tpu.memref_squeeze %dma_start3A_12 : memref<1x80000x64xf32, #tpu.memory_space<hbm>> -> memref<80000x64xf32, #tpu.memory_space<hbm>>
    %dma_start3A_14 = arith.constant 0 : i32
    %dma_start3A_15 = arith.constant 0 : i32
    %dma_start3A_16 = tpu.memref_slice %dma_start3A_13[%dma_start3A_14, %dma_start3A_15] : memref<80000x64xf32, #tpu.memory_space<hbm>> -> memref<80000x64xf32, #tpu.memory_space<hbm>>
    %dma_start3A_17 = tpu.memref_slice %arg11[%dma_start3A_2] : memref<4x!tpu.dma_semaphore, #tpu.memory_space<semaphore_mem>> -> memref<1x!tpu.dma_semaphore, #tpu.memory_space<semaphore_mem>>
    %dma_start3A_18 = tpu.memref_squeeze %dma_start3A_17 : memref<1x!tpu.dma_semaphore, #tpu.memory_space<semaphore_mem>> -> memref<!tpu.dma_semaphore, #tpu.memory_space<semaphore_mem>>
    tpu.enqueue_indirect_dma source(%dma_start3A_16 : memref<80000x64xf32, #tpu.memory_space<hbm>>) target(%dma_start3A_6 : memref<128x64xf32, #tpu.memory_space<vmem>>) offsets(%dma_start3A_9 : memref<128xi32, #tpu.memory_space<vmem>>) semaphore(%dma_start3A_18 : memref<!tpu.dma_semaphore, #tpu.memory_space<semaphore_mem>>)
    %dma_start3A_19 = arith.constant 1 : i32
    %dma_start3A_20 = arith.constant 1 : i32
    %dma_start3A_21 = arith.constant 1 : i32
    %dma_start3A_22 = arith.constant 0 : i32
    %dma_start3A_23 = arith.constant 0 : i32
    %dma_start3A_24 = tpu.memref_slice %arg9[%dma_start3A_20, %dma_start3A_22, %dma_start3A_23] : memref<4x128x64xf32, #tpu.memory_space<vmem>> -> memref<1x128x64xf32, #tpu.memory_space<vmem>>
    %dma_start3A_25 = tpu.memref_squeeze %dma_start3A_24 : memref<1x128x64xf32, #tpu.memory_space<vmem>> -> memref<128x64xf32, #tpu.memory_space<vmem>>
    %dma_start3A_26 = arith.constant 0 : i32
    %dma_start3A_27 = tpu.memref_slice %arg7[%dma_start3A_19, %dma_start3A_26] : memref<160x128xi32, #tpu.memory_space<vmem>> -> memref<1x128xi32, #tpu.memory_space<vmem>>
    %dma_start3A_28 = tpu.memref_squeeze %dma_start3A_27 : memref<1x128xi32, #tpu.memory_space<vmem>> -> memref<128xi32, #tpu.memory_space<vmem>>
    %dma_start3A_29 = arith.constant 0 : i32
    %dma_start3A_30 = arith.constant 0 : i32
    %dma_start3A_31 = tpu.memref_slice %arg2[%arg0, %dma_start3A_29, %dma_start3A_30] : memref<2x80000x64xf32, #tpu.memory_space<hbm>> -> memref<1x80000x64xf32, #tpu.memory_space<hbm>>
    %dma_start3A_32 = tpu.memref_squeeze %dma_start3A_31 : memref<1x80000x64xf32, #tpu.memory_space<hbm>> -> memref<80000x64xf32, #tpu.memory_space<hbm>>
    %dma_start3A_33 = arith.constant 0 : i32
    %dma_start3A_34 = arith.constant 0 : i32
    %dma_start3A_35 = tpu.memref_slice %dma_start3A_32[%dma_start3A_33, %dma_start3A_34] : memref<80000x64xf32, #tpu.memory_space<hbm>> -> memref<80000x64xf32, #tpu.memory_space<hbm>>
    %dma_start3A_36 = tpu.memref_slice %arg11[%dma_start3A_21] : memref<4x!tpu.dma_semaphore, #tpu.memory_space<semaphore_mem>> -> memref<1x!tpu.dma_semaphore, #tpu.memory_space<semaphore_mem>>
    %dma_start3A_37 = tpu.memref_squeeze %dma_start3A_36 : memref<1x!tpu.dma_semaphore, #tpu.memory_space<semaphore_mem>> -> memref<!tpu.dma_semaphore, #tpu.memory_space<semaphore_mem>>
    tpu.enqueue_indirect_dma source(%dma_start3A_35 : memref<80000x64xf32, #tpu.memory_space<hbm>>) target(%dma_start3A_25 : memref<128x64xf32, #tpu.memory_space<vmem>>) offsets(%dma_start3A_28 : memref<128xi32, #tpu.memory_space<vmem>>) semaphore(%dma_start3A_37 : memref<!tpu.dma_semaphore, #tpu.memory_space<semaphore_mem>>)
    %dma_start3A_38 = arith.constant 2 : i32
    %dma_start3A_39 = arith.constant 2 : i32
    %dma_start3A_40 = arith.constant 2 : i32
    %dma_start3A_41 = arith.constant 0 : i32
    %dma_start3A_42 = arith.constant 0 : i32
    %dma_start3A_43 = tpu.memref_slice %arg9[%dma_start3A_39, %dma_start3A_41, %dma_start3A_42] : memref<4x128x64xf32, #tpu.memory_space<vmem>> -> memref<1x128x64xf32, #tpu.memory_space<vmem>>
    %dma_start3A_44 = tpu.memref_squeeze %dma_start3A_43 : memref<1x128x64xf32, #tpu.memory_space<vmem>> -> memref<128x64xf32, #tpu.memory_space<vmem>>
    %dma_start3A_45 = arith.constant 0 : i32
    %dma_start3A_46 = tpu.memref_slice %arg7[%dma_start3A_38, %dma_start3A_45] : memref<160x128xi32, #tpu.memory_space<vmem>> -> memref<1x128xi32, #tpu.memory_space<vmem>>
    %dma_start3A_47 = tpu.memref_squeeze %dma_start3A_46 : memref<1x128xi32, #tpu.memory_space<vmem>> -> memref<128xi32, #tpu.memory_space<vmem>>
    %dma_start3A_48 = arith.constant 0 : i32
    %dma_start3A_49 = arith.constant 0 : i32
    %dma_start3A_50 = tpu.memref_slice %arg2[%arg0, %dma_start3A_48, %dma_start3A_49] : memref<2x80000x64xf32, #tpu.memory_space<hbm>> -> memref<1x80000x64xf32, #tpu.memory_space<hbm>>
    %dma_start3A_51 = tpu.memref_squeeze %dma_start3A_50 : memref<1x80000x64xf32, #tpu.memory_space<hbm>> -> memref<80000x64xf32, #tpu.memory_space<hbm>>
    %dma_start3A_52 = arith.constant 0 : i32
    %dma_start3A_53 = arith.constant 0 : i32
    %dma_start3A_54 = tpu.memref_slice %dma_start3A_51[%dma_start3A_52, %dma_start3A_53] : memref<80000x64xf32, #tpu.memory_space<hbm>> -> memref<80000x64xf32, #tpu.memory_space<hbm>>
    %dma_start3A_55 = tpu.memref_slice %arg11[%dma_start3A_40] : memref<4x!tpu.dma_semaphore, #tpu.memory_space<semaphore_mem>> -> memref<1x!tpu.dma_semaphore, #tpu.memory_space<semaphore_mem>>
    %dma_start3A_56 = tpu.memref_squeeze %dma_start3A_55 : memref<1x!tpu.dma_semaphore, #tpu.memory_space<semaphore_mem>> -> memref<!tpu.dma_semaphore, #tpu.memory_space<semaphore_mem>>
    tpu.enqueue_indirect_dma source(%dma_start3A_54 : memref<80000x64xf32, #tpu.memory_space<hbm>>) target(%dma_start3A_44 : memref<128x64xf32, #tpu.memory_space<vmem>>) offsets(%dma_start3A_47 : memref<128xi32, #tpu.memory_space<vmem>>) semaphore(%dma_start3A_56 : memref<!tpu.dma_semaphore, #tpu.memory_space<semaphore_mem>>)
    %dma_start3A_57 = arith.constant 3 : i32
    %dma_start3A_58 = arith.constant 3 : i32
    %dma_start3A_59 = arith.constant 3 : i32
    %dma_start3A_60 = arith.constant 0 : i32
    %dma_start3A_61 = arith.constant 0 : i32
    %dma_start3A_62 = tpu.memref_slice %arg9[%dma_start3A_58, %dma_start3A_60, %dma_start3A_61] : memref<4x128x64xf32, #tpu.memory_space<vmem>> -> memref<1x128x64xf32, #tpu.memory_space<vmem>>
    %dma_start3A_63 = tpu.memref_squeeze %dma_start3A_62 : memref<1x128x64xf32, #tpu.memory_space<vmem>> -> memref<128x64xf32, #tpu.memory_space<vmem>>
    %dma_start3A_64 = arith.constant 0 : i32
    %dma_start3A_65 = tpu.memref_slice %arg7[%dma_start3A_57, %dma_start3A_64] : memref<160x128xi32, #tpu.memory_space<vmem>> -> memref<1x128xi32, #tpu.memory_space<vmem>>
    %dma_start3A_66 = tpu.memref_squeeze %dma_start3A_65 : memref<1x128xi32, #tpu.memory_space<vmem>> -> memref<128xi32, #tpu.memory_space<vmem>>
    %dma_start3A_67 = arith.constant 0 : i32
    %dma_start3A_68 = arith.constant 0 : i32
    %dma_start3A_69 = tpu.memref_slice %arg2[%arg0, %dma_start3A_67, %dma_start3A_68] : memref<2x80000x64xf32, #tpu.memory_space<hbm>> -> memref<1x80000x64xf32, #tpu.memory_space<hbm>>
    %dma_start3A_70 = tpu.memref_squeeze %dma_start3A_69 : memref<1x80000x64xf32, #tpu.memory_space<hbm>> -> memref<80000x64xf32, #tpu.memory_space<hbm>>
    %dma_start3A_71 = arith.constant 0 : i32
    %dma_start3A_72 = arith.constant 0 : i32
    %dma_start3A_73 = tpu.memref_slice %dma_start3A_70[%dma_start3A_71, %dma_start3A_72] : memref<80000x64xf32, #tpu.memory_space<hbm>> -> memref<80000x64xf32, #tpu.memory_space<hbm>>
    %dma_start3A_74 = tpu.memref_slice %arg11[%dma_start3A_59] : memref<4x!tpu.dma_semaphore, #tpu.memory_space<semaphore_mem>> -> memref<1x!tpu.dma_semaphore, #tpu.memory_space<semaphore_mem>>
    %dma_start3A_75 = tpu.memref_squeeze %dma_start3A_74 : memref<1x!tpu.dma_semaphore, #tpu.memory_space<semaphore_mem>> -> memref<!tpu.dma_semaphore, #tpu.memory_space<semaphore_mem>>
    tpu.enqueue_indirect_dma source(%dma_start3A_73 : memref<80000x64xf32, #tpu.memory_space<hbm>>) target(%dma_start3A_63 : memref<128x64xf32, #tpu.memory_space<vmem>>) offsets(%dma_start3A_66 : memref<128xi32, #tpu.memory_space<vmem>>) semaphore(%dma_start3A_75 : memref<!tpu.dma_semaphore, #tpu.memory_space<semaphore_mem>>)
    %scan3A = arith.constant 0 : i32
    %scan3A_76 = arith.constant 0 : i32
    %scan3A_77 = arith.constant 39 : i32
    %scan3A_78 = arith.addi %scan3A_76, %scan3A_77 : i32
    %scan3A_79 = arith.constant 1 : i32
    scf.for %scan3A_168 = %scan3A_76 to %scan3A_78 step %scan3A_79  : i32 {
      %mul3A_169 = arith.constant 4 : i32
      %mul3A_170 = arith.muli %mul3A_169, %scan3A_168 : i32
      %add3A = arith.constant 0 : i32
      %add3A_171 = arith.addi %mul3A_170, %add3A : i32
      %dma_wait3A_172 = arith.constant 0 : i32
      %dma_wait3A_173 = arith.constant 0 : i32
      %dma_wait3A_174 = arith.constant 0 : i32
      %dma_wait3A_175 = arith.constant 0 : i32
      %dma_wait3A_176 = tpu.memref_slice %arg9[%dma_wait3A_172, %dma_wait3A_174, %dma_wait3A_175] : memref<4x128x64xf32, #tpu.memory_space<vmem>> -> memref<1x128x64xf32, #tpu.memory_space<vmem>>
      %dma_wait3A_177 = tpu.memref_squeeze %dma_wait3A_176 : memref<1x128x64xf32, #tpu.memory_space<vmem>> -> memref<128x64xf32, #tpu.memory_space<vmem>>
      %dma_wait3A_178 = arith.constant 0 : i32
      %dma_wait3A_179 = tpu.memref_slice %arg7[%add3A_171, %dma_wait3A_178] : memref<160x128xi32, #tpu.memory_space<vmem>> -> memref<1x128xi32, #tpu.memory_space<vmem>>
      %dma_wait3A_180 = tpu.memref_squeeze %dma_wait3A_179 : memref<1x128xi32, #tpu.memory_space<vmem>> -> memref<128xi32, #tpu.memory_space<vmem>>
      %dma_wait3A_181 = arith.constant 0 : i32
      %dma_wait3A_182 = arith.constant 0 : i32
      %dma_wait3A_183 = tpu.memref_slice %arg2[%arg0, %dma_wait3A_181, %dma_wait3A_182] : memref<2x80000x64xf32, #tpu.memory_space<hbm>> -> memref<1x80000x64xf32, #tpu.memory_space<hbm>>
      %dma_wait3A_184 = tpu.memref_squeeze %dma_wait3A_183 : memref<1x80000x64xf32, #tpu.memory_space<hbm>> -> memref<80000x64xf32, #tpu.memory_space<hbm>>
      %dma_wait3A_185 = arith.constant 0 : i32
      %dma_wait3A_186 = arith.constant 0 : i32
      %dma_wait3A_187 = tpu.memref_slice %dma_wait3A_184[%dma_wait3A_185, %dma_wait3A_186] : memref<80000x64xf32, #tpu.memory_space<hbm>> -> memref<80000x64xf32, #tpu.memory_space<hbm>>
      %dma_wait3A_188 = tpu.memref_slice %arg11[%dma_wait3A_173] : memref<4x!tpu.dma_semaphore, #tpu.memory_space<semaphore_mem>> -> memref<1x!tpu.dma_semaphore, #tpu.memory_space<semaphore_mem>>
      %dma_wait3A_189 = tpu.memref_squeeze %dma_wait3A_188 : memref<1x!tpu.dma_semaphore, #tpu.memory_space<semaphore_mem>> -> memref<!tpu.dma_semaphore, #tpu.memory_space<semaphore_mem>>
      tpu.wait_indirect_dma semaphore(%dma_wait3A_189 : memref<!tpu.dma_semaphore, #tpu.memory_space<semaphore_mem>>) src(%dma_wait3A_187 : memref<80000x64xf32, #tpu.memory_space<hbm>>) dst(%dma_wait3A_177 : memref<128x64xf32, #tpu.memory_space<vmem>>)
      %add3A_190 = arith.constant 0 : i32
      %add3A_191 = arith.addi %mul3A_170, %add3A_190 : i32
      %run_scoped3A_192 = arith.constant 0 : i32
      "tpu.region"() ({
        %run_scoped3A_350 = tpu.sem_alloc : memref<!tpu.dma_semaphore, #tpu.memory_space<semaphore_mem>>
        %dma_start3A_351 = arith.constant 0 : i32
        %dma_start3A_352 = arith.constant 0 : i32
        %dma_start3A_353 = tpu.memref_slice %arg9[%run_scoped3A_192, %dma_start3A_351, %dma_start3A_352] : memref<4x128x64xf32, #tpu.memory_space<vmem>> -> memref<1x128x64xf32, #tpu.memory_space<vmem>>
        %dma_start3A_354 = tpu.memref_squeeze %dma_start3A_353 : memref<1x128x64xf32, #tpu.memory_space<vmem>> -> memref<128x64xf32, #tpu.memory_space<vmem>>
        %dma_start3A_355 = arith.constant 0 : i32
        %dma_start3A_356 = tpu.memref_slice %arg8[%add3A_191, %dma_start3A_355] : memref<160x128xi32, #tpu.memory_space<vmem>> -> memref<1x128xi32, #tpu.memory_space<vmem>>
        %dma_start3A_357 = tpu.memref_squeeze %dma_start3A_356 : memref<1x128xi32, #tpu.memory_space<vmem>> -> memref<128xi32, #tpu.memory_space<vmem>>
        %dma_start3A_358 = arith.constant 0 : i32
        %dma_start3A_359 = arith.constant 0 : i32
        %dma_start3A_360 = tpu.memref_slice %arg10[%dma_start3A_358, %dma_start3A_359] : memref<10016x64xf32, #tpu.memory_space<vmem_shared>> -> memref<10016x64xf32, #tpu.memory_space<vmem_shared>>
        tpu.enqueue_indirect_dma source(%dma_start3A_354 : memref<128x64xf32, #tpu.memory_space<vmem>>) target(%dma_start3A_360 : memref<10016x64xf32, #tpu.memory_space<vmem_shared>>) offsets(%dma_start3A_357 : memref<128xi32, #tpu.memory_space<vmem>>) semaphore(%run_scoped3A_350 : memref<!tpu.dma_semaphore, #tpu.memory_space<semaphore_mem>>) {add = true}
        %dma_wait3A_361 = arith.constant 0 : i32
        %dma_wait3A_362 = arith.constant 0 : i32
        %dma_wait3A_363 = tpu.memref_slice %arg9[%run_scoped3A_192, %dma_wait3A_361, %dma_wait3A_362] : memref<4x128x64xf32, #tpu.memory_space<vmem>> -> memref<1x128x64xf32, #tpu.memory_space<vmem>>
        %dma_wait3A_364 = tpu.memref_squeeze %dma_wait3A_363 : memref<1x128x64xf32, #tpu.memory_space<vmem>> -> memref<128x64xf32, #tpu.memory_space<vmem>>
        %dma_wait3A_365 = arith.constant 0 : i32
        %dma_wait3A_366 = tpu.memref_slice %arg8[%add3A_191, %dma_wait3A_365] : memref<160x128xi32, #tpu.memory_space<vmem>> -> memref<1x128xi32, #tpu.memory_space<vmem>>
        %dma_wait3A_367 = tpu.memref_squeeze %dma_wait3A_366 : memref<1x128xi32, #tpu.memory_space<vmem>> -> memref<128xi32, #tpu.memory_space<vmem>>
        %dma_wait3A_368 = arith.constant 0 : i32
        %dma_wait3A_369 = arith.constant 0 : i32
        %dma_wait3A_370 = tpu.memref_slice %arg10[%dma_wait3A_368, %dma_wait3A_369] : memref<10016x64xf32, #tpu.memory_space<vmem_shared>> -> memref<10016x64xf32, #tpu.memory_space<vmem_shared>>
        tpu.wait_indirect_dma semaphore(%run_scoped3A_350 : memref<!tpu.dma_semaphore, #tpu.memory_space<semaphore_mem>>) src(%dma_wait3A_364 : memref<128x64xf32, #tpu.memory_space<vmem>>) dst(%dma_wait3A_370 : memref<10016x64xf32, #tpu.memory_space<vmem_shared>>)
        tpu.yield
      }) : () -> ()
      %add3A_193 = arith.constant 4 : i32
      %add3A_194 = arith.addi %mul3A_170, %add3A_193 : i32
      %add3A_195 = arith.constant 0 : i32
      %add3A_196 = arith.addi %add3A_194, %add3A_195 : i32
      %dma_start3A_197 = arith.constant 0 : i32
      %dma_start3A_198 = arith.constant 0 : i32
      %dma_start3A_199 = arith.constant 0 : i32
      %dma_start3A_200 = arith.constant 0 : i32
      %dma_start3A_201 = tpu.memref_slice %arg9[%dma_start3A_197, %dma_start3A_199, %dma_start3A_200] : memref<4x128x64xf32, #tpu.memory_space<vmem>> -> memref<1x128x64xf32, #tpu.memory_space<vmem>>
      %dma_start3A_202 = tpu.memref_squeeze %dma_start3A_201 : memref<1x128x64xf32, #tpu.memory_space<vmem>> -> memref<128x64xf32, #tpu.memory_space<vmem>>
      %dma_start3A_203 = arith.constant 0 : i32
      %dma_start3A_204 = tpu.memref_slice %arg7[%add3A_196, %dma_start3A_203] : memref<160x128xi32, #tpu.memory_space<vmem>> -> memref<1x128xi32, #tpu.memory_space<vmem>>
      %dma_start3A_205 = tpu.memref_squeeze %dma_start3A_204 : memref<1x128xi32, #tpu.memory_space<vmem>> -> memref<128xi32, #tpu.memory_space<vmem>>
      %dma_start3A_206 = arith.constant 0 : i32
      %dma_start3A_207 = arith.constant 0 : i32
      %dma_start3A_208 = tpu.memref_slice %arg2[%arg0, %dma_start3A_206, %dma_start3A_207] : memref<2x80000x64xf32, #tpu.memory_space<hbm>> -> memref<1x80000x64xf32, #tpu.memory_space<hbm>>
      %dma_start3A_209 = tpu.memref_squeeze %dma_start3A_208 : memref<1x80000x64xf32, #tpu.memory_space<hbm>> -> memref<80000x64xf32, #tpu.memory_space<hbm>>
      %dma_start3A_210 = arith.constant 0 : i32
      %dma_start3A_211 = arith.constant 0 : i32
      %dma_start3A_212 = tpu.memref_slice %dma_start3A_209[%dma_start3A_210, %dma_start3A_211] : memref<80000x64xf32, #tpu.memory_space<hbm>> -> memref<80000x64xf32, #tpu.memory_space<hbm>>
      %dma_start3A_213 = tpu.memref_slice %arg11[%dma_start3A_198] : memref<4x!tpu.dma_semaphore, #tpu.memory_space<semaphore_mem>> -> memref<1x!tpu.dma_semaphore, #tpu.memory_space<semaphore_mem>>
      %dma_start3A_214 = tpu.memref_squeeze %dma_start3A_213 : memref<1x!tpu.dma_semaphore, #tpu.memory_space<semaphore_mem>> -> memref<!tpu.dma_semaphore, #tpu.memory_space<semaphore_mem>>
      tpu.enqueue_indirect_dma source(%dma_start3A_212 : memref<80000x64xf32, #tpu.memory_space<hbm>>) target(%dma_start3A_202 : memref<128x64xf32, #tpu.memory_space<vmem>>) offsets(%dma_start3A_205 : memref<128xi32, #tpu.memory_space<vmem>>) semaphore(%dma_start3A_214 : memref<!tpu.dma_semaphore, #tpu.memory_space<semaphore_mem>>)
      %add3A_215 = arith.constant 1 : i32
      %add3A_216 = arith.addi %mul3A_170, %add3A_215 : i32
      %dma_wait3A_217 = arith.constant 1 : i32
      %dma_wait3A_218 = arith.constant 1 : i32
      %dma_wait3A_219 = arith.constant 0 : i32
      %dma_wait3A_220 = arith.constant 0 : i32
      %dma_wait3A_221 = tpu.memref_slice %arg9[%dma_wait3A_217, %dma_wait3A_219, %dma_wait3A_220] : memref<4x128x64xf32, #tpu.memory_space<vmem>> -> memref<1x128x64xf32, #tpu.memory_space<vmem>>
      %dma_wait3A_222 = tpu.memref_squeeze %dma_wait3A_221 : memref<1x128x64xf32, #tpu.memory_space<vmem>> -> memref<128x64xf32, #tpu.memory_space<vmem>>
      %dma_wait3A_223 = arith.constant 0 : i32
      %dma_wait3A_224 = tpu.memref_slice %arg7[%add3A_216, %dma_wait3A_223] : memref<160x128xi32, #tpu.memory_space<vmem>> -> memref<1x128xi32, #tpu.memory_space<vmem>>
      %dma_wait3A_225 = tpu.memref_squeeze %dma_wait3A_224 : memref<1x128xi32, #tpu.memory_space<vmem>> -> memref<128xi32, #tpu.memory_space<vmem>>
      %dma_wait3A_226 = arith.constant 0 : i32
      %dma_wait3A_227 = arith.constant 0 : i32
      %dma_wait3A_228 = tpu.memref_slice %arg2[%arg0, %dma_wait3A_226, %dma_wait3A_227] : memref<2x80000x64xf32, #tpu.memory_space<hbm>> -> memref<1x80000x64xf32, #tpu.memory_space<hbm>>
      %dma_wait3A_229 = tpu.memref_squeeze %dma_wait3A_228 : memref<1x80000x64xf32, #tpu.memory_space<hbm>> -> memref<80000x64xf32, #tpu.memory_space<hbm>>
      %dma_wait3A_230 = arith.constant 0 : i32
      %dma_wait3A_231 = arith.constant 0 : i32
      %dma_wait3A_232 = tpu.memref_slice %dma_wait3A_229[%dma_wait3A_230, %dma_wait3A_231] : memref<80000x64xf32, #tpu.memory_space<hbm>> -> memref<80000x64xf32, #tpu.memory_space<hbm>>
      %dma_wait3A_233 = tpu.memref_slice %arg11[%dma_wait3A_218] : memref<4x!tpu.dma_semaphore, #tpu.memory_space<semaphore_mem>> -> memref<1x!tpu.dma_semaphore, #tpu.memory_space<semaphore_mem>>
      %dma_wait3A_234 = tpu.memref_squeeze %dma_wait3A_233 : memref<1x!tpu.dma_semaphore, #tpu.memory_space<semaphore_mem>> -> memref<!tpu.dma_semaphore, #tpu.memory_space<semaphore_mem>>
      tpu.wait_indirect_dma semaphore(%dma_wait3A_234 : memref<!tpu.dma_semaphore, #tpu.memory_space<semaphore_mem>>) src(%dma_wait3A_232 : memref<80000x64xf32, #tpu.memory_space<hbm>>) dst(%dma_wait3A_222 : memref<128x64xf32, #tpu.memory_space<vmem>>)
      %add3A_235 = arith.constant 1 : i32
      %add3A_236 = arith.addi %mul3A_170, %add3A_235 : i32
      %run_scoped3A_237 = arith.constant 1 : i32
      "tpu.region"() ({
        %run_scoped3A_350 = tpu.sem_alloc : memref<!tpu.dma_semaphore, #tpu.memory_space<semaphore_mem>>
        %dma_start3A_351 = arith.constant 0 : i32
        %dma_start3A_352 = arith.constant 0 : i32
        %dma_start3A_353 = tpu.memref_slice %arg9[%run_scoped3A_237, %dma_start3A_351, %dma_start3A_352] : memref<4x128x64xf32, #tpu.memory_space<vmem>> -> memref<1x128x64xf32, #tpu.memory_space<vmem>>
        %dma_start3A_354 = tpu.memref_squeeze %dma_start3A_353 : memref<1x128x64xf32, #tpu.memory_space<vmem>> -> memref<128x64xf32, #tpu.memory_space<vmem>>
        %dma_start3A_355 = arith.constant 0 : i32
        %dma_start3A_356 = tpu.memref_slice %arg8[%add3A_236, %dma_start3A_355] : memref<160x128xi32, #tpu.memory_space<vmem>> -> memref<1x128xi32, #tpu.memory_space<vmem>>
        %dma_start3A_357 = tpu.memref_squeeze %dma_start3A_356 : memref<1x128xi32, #tpu.memory_space<vmem>> -> memref<128xi32, #tpu.memory_space<vmem>>
        %dma_start3A_358 = arith.constant 0 : i32
        %dma_start3A_359 = arith.constant 0 : i32
        %dma_start3A_360 = tpu.memref_slice %arg10[%dma_start3A_358, %dma_start3A_359] : memref<10016x64xf32, #tpu.memory_space<vmem_shared>> -> memref<10016x64xf32, #tpu.memory_space<vmem_shared>>
        tpu.enqueue_indirect_dma source(%dma_start3A_354 : memref<128x64xf32, #tpu.memory_space<vmem>>) target(%dma_start3A_360 : memref<10016x64xf32, #tpu.memory_space<vmem_shared>>) offsets(%dma_start3A_357 : memref<128xi32, #tpu.memory_space<vmem>>) semaphore(%run_scoped3A_350 : memref<!tpu.dma_semaphore, #tpu.memory_space<semaphore_mem>>) {add = true}
        %dma_wait3A_361 = arith.constant 0 : i32
        %dma_wait3A_362 = arith.constant 0 : i32
        %dma_wait3A_363 = tpu.memref_slice %arg9[%run_scoped3A_237, %dma_wait3A_361, %dma_wait3A_362] : memref<4x128x64xf32, #tpu.memory_space<vmem>> -> memref<1x128x64xf32, #tpu.memory_space<vmem>>
        %dma_wait3A_364 = tpu.memref_squeeze %dma_wait3A_363 : memref<1x128x64xf32, #tpu.memory_space<vmem>> -> memref<128x64xf32, #tpu.memory_space<vmem>>
        %dma_wait3A_365 = arith.constant 0 : i32
        %dma_wait3A_366 = tpu.memref_slice %arg8[%add3A_236, %dma_wait3A_365] : memref<160x128xi32, #tpu.memory_space<vmem>> -> memref<1x128xi32, #tpu.memory_space<vmem>>
        %dma_wait3A_367 = tpu.memref_squeeze %dma_wait3A_366 : memref<1x128xi32, #tpu.memory_space<vmem>> -> memref<128xi32, #tpu.memory_space<vmem>>
        %dma_wait3A_368 = arith.constant 0 : i32
        %dma_wait3A_369 = arith.constant 0 : i32
        %dma_wait3A_370 = tpu.memref_slice %arg10[%dma_wait3A_368, %dma_wait3A_369] : memref<10016x64xf32, #tpu.memory_space<vmem_shared>> -> memref<10016x64xf32, #tpu.memory_space<vmem_shared>>
        tpu.wait_indirect_dma semaphore(%run_scoped3A_350 : memref<!tpu.dma_semaphore, #tpu.memory_space<semaphore_mem>>) src(%dma_wait3A_364 : memref<128x64xf32, #tpu.memory_space<vmem>>) dst(%dma_wait3A_370 : memref<10016x64xf32, #tpu.memory_space<vmem_shared>>)
        tpu.yield
      }) : () -> ()
      %add3A_238 = arith.constant 4 : i32
      %add3A_239 = arith.addi %mul3A_170, %add3A_238 : i32
      %add3A_240 = arith.constant 1 : i32
      %add3A_241 = arith.addi %add3A_239, %add3A_240 : i32
      %dma_start3A_242 = arith.constant 1 : i32
      %dma_start3A_243 = arith.constant 1 : i32
      %dma_start3A_244 = arith.constant 0 : i32
      %dma_start3A_245 = arith.constant 0 : i32
      %dma_start3A_246 = tpu.memref_slice %arg9[%dma_start3A_242, %dma_start3A_244, %dma_start3A_245] : memref<4x128x64xf32, #tpu.memory_space<vmem>> -> memref<1x128x64xf32, #tpu.memory_space<vmem>>
      %dma_start3A_247 = tpu.memref_squeeze %dma_start3A_246 : memref<1x128x64xf32, #tpu.memory_space<vmem>> -> memref<128x64xf32, #tpu.memory_space<vmem>>
      %dma_start3A_248 = arith.constant 0 : i32
      %dma_start3A_249 = tpu.memref_slice %arg7[%add3A_241, %dma_start3A_248] : memref<160x128xi32, #tpu.memory_space<vmem>> -> memref<1x128xi32, #tpu.memory_space<vmem>>
      %dma_start3A_250 = tpu.memref_squeeze %dma_start3A_249 : memref<1x128xi32, #tpu.memory_space<vmem>> -> memref<128xi32, #tpu.memory_space<vmem>>
      %dma_start3A_251 = arith.constant 0 : i32
      %dma_start3A_252 = arith.constant 0 : i32
      %dma_start3A_253 = tpu.memref_slice %arg2[%arg0, %dma_start3A_251, %dma_start3A_252] : memref<2x80000x64xf32, #tpu.memory_space<hbm>> -> memref<1x80000x64xf32, #tpu.memory_space<hbm>>
      %dma_start3A_254 = tpu.memref_squeeze %dma_start3A_253 : memref<1x80000x64xf32, #tpu.memory_space<hbm>> -> memref<80000x64xf32, #tpu.memory_space<hbm>>
      %dma_start3A_255 = arith.constant 0 : i32
      %dma_start3A_256 = arith.constant 0 : i32
      %dma_start3A_257 = tpu.memref_slice %dma_start3A_254[%dma_start3A_255, %dma_start3A_256] : memref<80000x64xf32, #tpu.memory_space<hbm>> -> memref<80000x64xf32, #tpu.memory_space<hbm>>
      %dma_start3A_258 = tpu.memref_slice %arg11[%dma_start3A_243] : memref<4x!tpu.dma_semaphore, #tpu.memory_space<semaphore_mem>> -> memref<1x!tpu.dma_semaphore, #tpu.memory_space<semaphore_mem>>
      %dma_start3A_259 = tpu.memref_squeeze %dma_start3A_258 : memref<1x!tpu.dma_semaphore, #tpu.memory_space<semaphore_mem>> -> memref<!tpu.dma_semaphore, #tpu.memory_space<semaphore_mem>>
      tpu.enqueue_indirect_dma source(%dma_start3A_257 : memref<80000x64xf32, #tpu.memory_space<hbm>>) target(%dma_start3A_247 : memref<128x64xf32, #tpu.memory_space<vmem>>) offsets(%dma_start3A_250 : memref<128xi32, #tpu.memory_space<vmem>>) semaphore(%dma_start3A_259 : memref<!tpu.dma_semaphore, #tpu.memory_space<semaphore_mem>>)
      %add3A_260 = arith.constant 2 : i32
      %add3A_261 = arith.addi %mul3A_170, %add3A_260 : i32
      %dma_wait3A_262 = arith.constant 2 : i32
      %dma_wait3A_263 = arith.constant 2 : i32
      %dma_wait3A_264 = arith.constant 0 : i32
      %dma_wait3A_265 = arith.constant 0 : i32
      %dma_wait3A_266 = tpu.memref_slice %arg9[%dma_wait3A_262, %dma_wait3A_264, %dma_wait3A_265] : memref<4x128x64xf32, #tpu.memory_space<vmem>> -> memref<1x128x64xf32, #tpu.memory_space<vmem>>
      %dma_wait3A_267 = tpu.memref_squeeze %dma_wait3A_266 : memref<1x128x64xf32, #tpu.memory_space<vmem>> -> memref<128x64xf32, #tpu.memory_space<vmem>>
      %dma_wait3A_268 = arith.constant 0 : i32
      %dma_wait3A_269 = tpu.memref_slice %arg7[%add3A_261, %dma_wait3A_268] : memref<160x128xi32, #tpu.memory_space<vmem>> -> memref<1x128xi32, #tpu.memory_space<vmem>>
      %dma_wait3A_270 = tpu.memref_squeeze %dma_wait3A_269 : memref<1x128xi32, #tpu.memory_space<vmem>> -> memref<128xi32, #tpu.memory_space<vmem>>
      %dma_wait3A_271 = arith.constant 0 : i32
      %dma_wait3A_272 = arith.constant 0 : i32
      %dma_wait3A_273 = tpu.memref_slice %arg2[%arg0, %dma_wait3A_271, %dma_wait3A_272] : memref<2x80000x64xf32, #tpu.memory_space<hbm>> -> memref<1x80000x64xf32, #tpu.memory_space<hbm>>
      %dma_wait3A_274 = tpu.memref_squeeze %dma_wait3A_273 : memref<1x80000x64xf32, #tpu.memory_space<hbm>> -> memref<80000x64xf32, #tpu.memory_space<hbm>>
      %dma_wait3A_275 = arith.constant 0 : i32
      %dma_wait3A_276 = arith.constant 0 : i32
      %dma_wait3A_277 = tpu.memref_slice %dma_wait3A_274[%dma_wait3A_275, %dma_wait3A_276] : memref<80000x64xf32, #tpu.memory_space<hbm>> -> memref<80000x64xf32, #tpu.memory_space<hbm>>
      %dma_wait3A_278 = tpu.memref_slice %arg11[%dma_wait3A_263] : memref<4x!tpu.dma_semaphore, #tpu.memory_space<semaphore_mem>> -> memref<1x!tpu.dma_semaphore, #tpu.memory_space<semaphore_mem>>
      %dma_wait3A_279 = tpu.memref_squeeze %dma_wait3A_278 : memref<1x!tpu.dma_semaphore, #tpu.memory_space<semaphore_mem>> -> memref<!tpu.dma_semaphore, #tpu.memory_space<semaphore_mem>>
      tpu.wait_indirect_dma semaphore(%dma_wait3A_279 : memref<!tpu.dma_semaphore, #tpu.memory_space<semaphore_mem>>) src(%dma_wait3A_277 : memref<80000x64xf32, #tpu.memory_space<hbm>>) dst(%dma_wait3A_267 : memref<128x64xf32, #tpu.memory_space<vmem>>)
      %add3A_280 = arith.constant 2 : i32
      %add3A_281 = arith.addi %mul3A_170, %add3A_280 : i32
      %run_scoped3A_282 = arith.constant 2 : i32
      "tpu.region"() ({
        %run_scoped3A_350 = tpu.sem_alloc : memref<!tpu.dma_semaphore, #tpu.memory_space<semaphore_mem>>
        %dma_start3A_351 = arith.constant 0 : i32
        %dma_start3A_352 = arith.constant 0 : i32
        %dma_start3A_353 = tpu.memref_slice %arg9[%run_scoped3A_282, %dma_start3A_351, %dma_start3A_352] : memref<4x128x64xf32, #tpu.memory_space<vmem>> -> memref<1x128x64xf32, #tpu.memory_space<vmem>>
        %dma_start3A_354 = tpu.memref_squeeze %dma_start3A_353 : memref<1x128x64xf32, #tpu.memory_space<vmem>> -> memref<128x64xf32, #tpu.memory_space<vmem>>
        %dma_start3A_355 = arith.constant 0 : i32
        %dma_start3A_356 = tpu.memref_slice %arg8[%add3A_281, %dma_start3A_355] : memref<160x128xi32, #tpu.memory_space<vmem>> -> memref<1x128xi32, #tpu.memory_space<vmem>>
        %dma_start3A_357 = tpu.memref_squeeze %dma_start3A_356 : memref<1x128xi32, #tpu.memory_space<vmem>> -> memref<128xi32, #tpu.memory_space<vmem>>
        %dma_start3A_358 = arith.constant 0 : i32
        %dma_start3A_359 = arith.constant 0 : i32
        %dma_start3A_360 = tpu.memref_slice %arg10[%dma_start3A_358, %dma_start3A_359] : memref<10016x64xf32, #tpu.memory_space<vmem_shared>> -> memref<10016x64xf32, #tpu.memory_space<vmem_shared>>
        tpu.enqueue_indirect_dma source(%dma_start3A_354 : memref<128x64xf32, #tpu.memory_space<vmem>>) target(%dma_start3A_360 : memref<10016x64xf32, #tpu.memory_space<vmem_shared>>) offsets(%dma_start3A_357 : memref<128xi32, #tpu.memory_space<vmem>>) semaphore(%run_scoped3A_350 : memref<!tpu.dma_semaphore, #tpu.memory_space<semaphore_mem>>) {add = true}
        %dma_wait3A_361 = arith.constant 0 : i32
        %dma_wait3A_362 = arith.constant 0 : i32
        %dma_wait3A_363 = tpu.memref_slice %arg9[%run_scoped3A_282, %dma_wait3A_361, %dma_wait3A_362] : memref<4x128x64xf32, #tpu.memory_space<vmem>> -> memref<1x128x64xf32, #tpu.memory_space<vmem>>
        %dma_wait3A_364 = tpu.memref_squeeze %dma_wait3A_363 : memref<1x128x64xf32, #tpu.memory_space<vmem>> -> memref<128x64xf32, #tpu.memory_space<vmem>>
        %dma_wait3A_365 = arith.constant 0 : i32
        %dma_wait3A_366 = tpu.memref_slice %arg8[%add3A_281, %dma_wait3A_365] : memref<160x128xi32, #tpu.memory_space<vmem>> -> memref<1x128xi32, #tpu.memory_space<vmem>>
        %dma_wait3A_367 = tpu.memref_squeeze %dma_wait3A_366 : memref<1x128xi32, #tpu.memory_space<vmem>> -> memref<128xi32, #tpu.memory_space<vmem>>
        %dma_wait3A_368 = arith.constant 0 : i32
        %dma_wait3A_369 = arith.constant 0 : i32
        %dma_wait3A_370 = tpu.memref_slice %arg10[%dma_wait3A_368, %dma_wait3A_369] : memref<10016x64xf32, #tpu.memory_space<vmem_shared>> -> memref<10016x64xf32, #tpu.memory_space<vmem_shared>>
        tpu.wait_indirect_dma semaphore(%run_scoped3A_350 : memref<!tpu.dma_semaphore, #tpu.memory_space<semaphore_mem>>) src(%dma_wait3A_364 : memref<128x64xf32, #tpu.memory_space<vmem>>) dst(%dma_wait3A_370 : memref<10016x64xf32, #tpu.memory_space<vmem_shared>>)
        tpu.yield
      }) : () -> ()
      %add3A_283 = arith.constant 4 : i32
      %add3A_284 = arith.addi %mul3A_170, %add3A_283 : i32
      %add3A_285 = arith.constant 2 : i32
      %add3A_286 = arith.addi %add3A_284, %add3A_285 : i32
      %dma_start3A_287 = arith.constant 2 : i32
      %dma_start3A_288 = arith.constant 2 : i32
      %dma_start3A_289 = arith.constant 0 : i32
      %dma_start3A_290 = arith.constant 0 : i32
      %dma_start3A_291 = tpu.memref_slice %arg9[%dma_start3A_287, %dma_start3A_289, %dma_start3A_290] : memref<4x128x64xf32, #tpu.memory_space<vmem>> -> memref<1x128x64xf32, #tpu.memory_space<vmem>>
      %dma_start3A_292 = tpu.memref_squeeze %dma_start3A_291 : memref<1x128x64xf32, #tpu.memory_space<vmem>> -> memref<128x64xf32, #tpu.memory_space<vmem>>
      %dma_start3A_293 = arith.constant 0 : i32
      %dma_start3A_294 = tpu.memref_slice %arg7[%add3A_286, %dma_start3A_293] : memref<160x128xi32, #tpu.memory_space<vmem>> -> memref<1x128xi32, #tpu.memory_space<vmem>>
      %dma_start3A_295 = tpu.memref_squeeze %dma_start3A_294 : memref<1x128xi32, #tpu.memory_space<vmem>> -> memref<128xi32, #tpu.memory_space<vmem>>
      %dma_start3A_296 = arith.constant 0 : i32
      %dma_start3A_297 = arith.constant 0 : i32
      %dma_start3A_298 = tpu.memref_slice %arg2[%arg0, %dma_start3A_296, %dma_start3A_297] : memref<2x80000x64xf32, #tpu.memory_space<hbm>> -> memref<1x80000x64xf32, #tpu.memory_space<hbm>>
      %dma_start3A_299 = tpu.memref_squeeze %dma_start3A_298 : memref<1x80000x64xf32, #tpu.memory_space<hbm>> -> memref<80000x64xf32, #tpu.memory_space<hbm>>
      %dma_start3A_300 = arith.constant 0 : i32
      %dma_start3A_301 = arith.constant 0 : i32
      %dma_start3A_302 = tpu.memref_slice %dma_start3A_299[%dma_start3A_300, %dma_start3A_301] : memref<80000x64xf32, #tpu.memory_space<hbm>> -> memref<80000x64xf32, #tpu.memory_space<hbm>>
      %dma_start3A_303 = tpu.memref_slice %arg11[%dma_start3A_288] : memref<4x!tpu.dma_semaphore, #tpu.memory_space<semaphore_mem>> -> memref<1x!tpu.dma_semaphore, #tpu.memory_space<semaphore_mem>>
      %dma_start3A_304 = tpu.memref_squeeze %dma_start3A_303 : memref<1x!tpu.dma_semaphore, #tpu.memory_space<semaphore_mem>> -> memref<!tpu.dma_semaphore, #tpu.memory_space<semaphore_mem>>
      tpu.enqueue_indirect_dma source(%dma_start3A_302 : memref<80000x64xf32, #tpu.memory_space<hbm>>) target(%dma_start3A_292 : memref<128x64xf32, #tpu.memory_space<vmem>>) offsets(%dma_start3A_295 : memref<128xi32, #tpu.memory_space<vmem>>) semaphore(%dma_start3A_304 : memref<!tpu.dma_semaphore, #tpu.memory_space<semaphore_mem>>)
      %add3A_305 = arith.constant 3 : i32
      %add3A_306 = arith.addi %mul3A_170, %add3A_305 : i32
      %dma_wait3A_307 = arith.constant 3 : i32
      %dma_wait3A_308 = arith.constant 3 : i32
      %dma_wait3A_309 = arith.constant 0 : i32
      %dma_wait3A_310 = arith.constant 0 : i32
      %dma_wait3A_311 = tpu.memref_slice %arg9[%dma_wait3A_307, %dma_wait3A_309, %dma_wait3A_310] : memref<4x128x64xf32, #tpu.memory_space<vmem>> -> memref<1x128x64xf32, #tpu.memory_space<vmem>>
      %dma_wait3A_312 = tpu.memref_squeeze %dma_wait3A_311 : memref<1x128x64xf32, #tpu.memory_space<vmem>> -> memref<128x64xf32, #tpu.memory_space<vmem>>
      %dma_wait3A_313 = arith.constant 0 : i32
      %dma_wait3A_314 = tpu.memref_slice %arg7[%add3A_306, %dma_wait3A_313] : memref<160x128xi32, #tpu.memory_space<vmem>> -> memref<1x128xi32, #tpu.memory_space<vmem>>
      %dma_wait3A_315 = tpu.memref_squeeze %dma_wait3A_314 : memref<1x128xi32, #tpu.memory_space<vmem>> -> memref<128xi32, #tpu.memory_space<vmem>>
      %dma_wait3A_316 = arith.constant 0 : i32
      %dma_wait3A_317 = arith.constant 0 : i32
      %dma_wait3A_318 = tpu.memref_slice %arg2[%arg0, %dma_wait3A_316, %dma_wait3A_317] : memref<2x80000x64xf32, #tpu.memory_space<hbm>> -> memref<1x80000x64xf32, #tpu.memory_space<hbm>>
      %dma_wait3A_319 = tpu.memref_squeeze %dma_wait3A_318 : memref<1x80000x64xf32, #tpu.memory_space<hbm>> -> memref<80000x64xf32, #tpu.memory_space<hbm>>
      %dma_wait3A_320 = arith.constant 0 : i32
      %dma_wait3A_321 = arith.constant 0 : i32
      %dma_wait3A_322 = tpu.memref_slice %dma_wait3A_319[%dma_wait3A_320, %dma_wait3A_321] : memref<80000x64xf32, #tpu.memory_space<hbm>> -> memref<80000x64xf32, #tpu.memory_space<hbm>>
      %dma_wait3A_323 = tpu.memref_slice %arg11[%dma_wait3A_308] : memref<4x!tpu.dma_semaphore, #tpu.memory_space<semaphore_mem>> -> memref<1x!tpu.dma_semaphore, #tpu.memory_space<semaphore_mem>>
      %dma_wait3A_324 = tpu.memref_squeeze %dma_wait3A_323 : memref<1x!tpu.dma_semaphore, #tpu.memory_space<semaphore_mem>> -> memref<!tpu.dma_semaphore, #tpu.memory_space<semaphore_mem>>
      tpu.wait_indirect_dma semaphore(%dma_wait3A_324 : memref<!tpu.dma_semaphore, #tpu.memory_space<semaphore_mem>>) src(%dma_wait3A_322 : memref<80000x64xf32, #tpu.memory_space<hbm>>) dst(%dma_wait3A_312 : memref<128x64xf32, #tpu.memory_space<vmem>>)
      %add3A_325 = arith.constant 3 : i32
      %add3A_326 = arith.addi %mul3A_170, %add3A_325 : i32
      %run_scoped3A_327 = arith.constant 3 : i32
      "tpu.region"() ({
        %run_scoped3A_350 = tpu.sem_alloc : memref<!tpu.dma_semaphore, #tpu.memory_space<semaphore_mem>>
        %dma_start3A_351 = arith.constant 0 : i32
        %dma_start3A_352 = arith.constant 0 : i32
        %dma_start3A_353 = tpu.memref_slice %arg9[%run_scoped3A_327, %dma_start3A_351, %dma_start3A_352] : memref<4x128x64xf32, #tpu.memory_space<vmem>> -> memref<1x128x64xf32, #tpu.memory_space<vmem>>
        %dma_start3A_354 = tpu.memref_squeeze %dma_start3A_353 : memref<1x128x64xf32, #tpu.memory_space<vmem>> -> memref<128x64xf32, #tpu.memory_space<vmem>>
        %dma_start3A_355 = arith.constant 0 : i32
        %dma_start3A_356 = tpu.memref_slice %arg8[%add3A_326, %dma_start3A_355] : memref<160x128xi32, #tpu.memory_space<vmem>> -> memref<1x128xi32, #tpu.memory_space<vmem>>
        %dma_start3A_357 = tpu.memref_squeeze %dma_start3A_356 : memref<1x128xi32, #tpu.memory_space<vmem>> -> memref<128xi32, #tpu.memory_space<vmem>>
        %dma_start3A_358 = arith.constant 0 : i32
        %dma_start3A_359 = arith.constant 0 : i32
        %dma_start3A_360 = tpu.memref_slice %arg10[%dma_start3A_358, %dma_start3A_359] : memref<10016x64xf32, #tpu.memory_space<vmem_shared>> -> memref<10016x64xf32, #tpu.memory_space<vmem_shared>>
        tpu.enqueue_indirect_dma source(%dma_start3A_354 : memref<128x64xf32, #tpu.memory_space<vmem>>) target(%dma_start3A_360 : memref<10016x64xf32, #tpu.memory_space<vmem_shared>>) offsets(%dma_start3A_357 : memref<128xi32, #tpu.memory_space<vmem>>) semaphore(%run_scoped3A_350 : memref<!tpu.dma_semaphore, #tpu.memory_space<semaphore_mem>>) {add = true}
        %dma_wait3A_361 = arith.constant 0 : i32
        %dma_wait3A_362 = arith.constant 0 : i32
        %dma_wait3A_363 = tpu.memref_slice %arg9[%run_scoped3A_327, %dma_wait3A_361, %dma_wait3A_362] : memref<4x128x64xf32, #tpu.memory_space<vmem>> -> memref<1x128x64xf32, #tpu.memory_space<vmem>>
        %dma_wait3A_364 = tpu.memref_squeeze %dma_wait3A_363 : memref<1x128x64xf32, #tpu.memory_space<vmem>> -> memref<128x64xf32, #tpu.memory_space<vmem>>
        %dma_wait3A_365 = arith.constant 0 : i32
        %dma_wait3A_366 = tpu.memref_slice %arg8[%add3A_326, %dma_wait3A_365] : memref<160x128xi32, #tpu.memory_space<vmem>> -> memref<1x128xi32, #tpu.memory_space<vmem>>
        %dma_wait3A_367 = tpu.memref_squeeze %dma_wait3A_366 : memref<1x128xi32, #tpu.memory_space<vmem>> -> memref<128xi32, #tpu.memory_space<vmem>>
        %dma_wait3A_368 = arith.constant 0 : i32
        %dma_wait3A_369 = arith.constant 0 : i32
        %dma_wait3A_370 = tpu.memref_slice %arg10[%dma_wait3A_368, %dma_wait3A_369] : memref<10016x64xf32, #tpu.memory_space<vmem_shared>> -> memref<10016x64xf32, #tpu.memory_space<vmem_shared>>
        tpu.wait_indirect_dma semaphore(%run_scoped3A_350 : memref<!tpu.dma_semaphore, #tpu.memory_space<semaphore_mem>>) src(%dma_wait3A_364 : memref<128x64xf32, #tpu.memory_space<vmem>>) dst(%dma_wait3A_370 : memref<10016x64xf32, #tpu.memory_space<vmem_shared>>)
        tpu.yield
      }) : () -> ()
      %add3A_328 = arith.constant 4 : i32
      %add3A_329 = arith.addi %mul3A_170, %add3A_328 : i32
      %add3A_330 = arith.constant 3 : i32
      %add3A_331 = arith.addi %add3A_329, %add3A_330 : i32
      %dma_start3A_332 = arith.constant 3 : i32
      %dma_start3A_333 = arith.constant 3 : i32
      %dma_start3A_334 = arith.constant 0 : i32
      %dma_start3A_335 = arith.constant 0 : i32
      %dma_start3A_336 = tpu.memref_slice %arg9[%dma_start3A_332, %dma_start3A_334, %dma_start3A_335] : memref<4x128x64xf32, #tpu.memory_space<vmem>> -> memref<1x128x64xf32, #tpu.memory_space<vmem>>
      %dma_start3A_337 = tpu.memref_squeeze %dma_start3A_336 : memref<1x128x64xf32, #tpu.memory_space<vmem>> -> memref<128x64xf32, #tpu.memory_space<vmem>>
      %dma_start3A_338 = arith.constant 0 : i32
      %dma_start3A_339 = tpu.memref_slice %arg7[%add3A_331, %dma_start3A_338] : memref<160x128xi32, #tpu.memory_space<vmem>> -> memref<1x128xi32, #tpu.memory_space<vmem>>
      %dma_start3A_340 = tpu.memref_squeeze %dma_start3A_339 : memref<1x128xi32, #tpu.memory_space<vmem>> -> memref<128xi32, #tpu.memory_space<vmem>>
      %dma_start3A_341 = arith.constant 0 : i32
      %dma_start3A_342 = arith.constant 0 : i32
      %dma_start3A_343 = tpu.memref_slice %arg2[%arg0, %dma_start3A_341, %dma_start3A_342] : memref<2x80000x64xf32, #tpu.memory_space<hbm>> -> memref<1x80000x64xf32, #tpu.memory_space<hbm>>
      %dma_start3A_344 = tpu.memref_squeeze %dma_start3A_343 : memref<1x80000x64xf32, #tpu.memory_space<hbm>> -> memref<80000x64xf32, #tpu.memory_space<hbm>>
      %dma_start3A_345 = arith.constant 0 : i32
      %dma_start3A_346 = arith.constant 0 : i32
      %dma_start3A_347 = tpu.memref_slice %dma_start3A_344[%dma_start3A_345, %dma_start3A_346] : memref<80000x64xf32, #tpu.memory_space<hbm>> -> memref<80000x64xf32, #tpu.memory_space<hbm>>
      %dma_start3A_348 = tpu.memref_slice %arg11[%dma_start3A_333] : memref<4x!tpu.dma_semaphore, #tpu.memory_space<semaphore_mem>> -> memref<1x!tpu.dma_semaphore, #tpu.memory_space<semaphore_mem>>
      %dma_start3A_349 = tpu.memref_squeeze %dma_start3A_348 : memref<1x!tpu.dma_semaphore, #tpu.memory_space<semaphore_mem>> -> memref<!tpu.dma_semaphore, #tpu.memory_space<semaphore_mem>>
      tpu.enqueue_indirect_dma source(%dma_start3A_347 : memref<80000x64xf32, #tpu.memory_space<hbm>>) target(%dma_start3A_337 : memref<128x64xf32, #tpu.memory_space<vmem>>) offsets(%dma_start3A_340 : memref<128xi32, #tpu.memory_space<vmem>>) semaphore(%dma_start3A_349 : memref<!tpu.dma_semaphore, #tpu.memory_space<semaphore_mem>>)
    }
    %scan3A_80 = arith.constant 39 : i32
    %dma_wait3A = arith.constant 156 : i32
    %dma_wait3A_81 = arith.constant 0 : i32
    %dma_wait3A_82 = arith.constant 0 : i32
    %dma_wait3A_83 = arith.constant 0 : i32
    %dma_wait3A_84 = arith.constant 0 : i32
    %dma_wait3A_85 = tpu.memref_slice %arg9[%dma_wait3A_81, %dma_wait3A_83, %dma_wait3A_84] : memref<4x128x64xf32, #tpu.memory_space<vmem>> -> memref<1x128x64xf32, #tpu.memory_space<vmem>>
    %dma_wait3A_86 = tpu.memref_squeeze %dma_wait3A_85 : memref<1x128x64xf32, #tpu.memory_space<vmem>> -> memref<128x64xf32, #tpu.memory_space<vmem>>
    %dma_wait3A_87 = arith.constant 0 : i32
    %dma_wait3A_88 = tpu.memref_slice %arg7[%dma_wait3A, %dma_wait3A_87] : memref<160x128xi32, #tpu.memory_space<vmem>> -> memref<1x128xi32, #tpu.memory_space<vmem>>
    %dma_wait3A_89 = tpu.memref_squeeze %dma_wait3A_88 : memref<1x128xi32, #tpu.memory_space<vmem>> -> memref<128xi32, #tpu.memory_space<vmem>>
    %dma_wait3A_90 = arith.constant 0 : i32
    %dma_wait3A_91 = arith.constant 0 : i32
    %dma_wait3A_92 = tpu.memref_slice %arg2[%arg0, %dma_wait3A_90, %dma_wait3A_91] : memref<2x80000x64xf32, #tpu.memory_space<hbm>> -> memref<1x80000x64xf32, #tpu.memory_space<hbm>>
    %dma_wait3A_93 = tpu.memref_squeeze %dma_wait3A_92 : memref<1x80000x64xf32, #tpu.memory_space<hbm>> -> memref<80000x64xf32, #tpu.memory_space<hbm>>
    %dma_wait3A_94 = arith.constant 0 : i32
    %dma_wait3A_95 = arith.constant 0 : i32
    %dma_wait3A_96 = tpu.memref_slice %dma_wait3A_93[%dma_wait3A_94, %dma_wait3A_95] : memref<80000x64xf32, #tpu.memory_space<hbm>> -> memref<80000x64xf32, #tpu.memory_space<hbm>>
    %dma_wait3A_97 = tpu.memref_slice %arg11[%dma_wait3A_82] : memref<4x!tpu.dma_semaphore, #tpu.memory_space<semaphore_mem>> -> memref<1x!tpu.dma_semaphore, #tpu.memory_space<semaphore_mem>>
    %dma_wait3A_98 = tpu.memref_squeeze %dma_wait3A_97 : memref<1x!tpu.dma_semaphore, #tpu.memory_space<semaphore_mem>> -> memref<!tpu.dma_semaphore, #tpu.memory_space<semaphore_mem>>
    tpu.wait_indirect_dma semaphore(%dma_wait3A_98 : memref<!tpu.dma_semaphore, #tpu.memory_space<semaphore_mem>>) src(%dma_wait3A_96 : memref<80000x64xf32, #tpu.memory_space<hbm>>) dst(%dma_wait3A_86 : memref<128x64xf32, #tpu.memory_space<vmem>>)
    %run_scoped3A = arith.constant 0 : i32
    %run_scoped3A_99 = arith.constant 156 : i32
    "tpu.region"() ({
      %run_scoped3A_168 = tpu.sem_alloc : memref<!tpu.dma_semaphore, #tpu.memory_space<semaphore_mem>>
      %dma_start3A_169 = arith.constant 0 : i32
      %dma_start3A_170 = arith.constant 0 : i32
      %dma_start3A_171 = tpu.memref_slice %arg9[%run_scoped3A, %dma_start3A_169, %dma_start3A_170] : memref<4x128x64xf32, #tpu.memory_space<vmem>> -> memref<1x128x64xf32, #tpu.memory_space<vmem>>
      %dma_start3A_172 = tpu.memref_squeeze %dma_start3A_171 : memref<1x128x64xf32, #tpu.memory_space<vmem>> -> memref<128x64xf32, #tpu.memory_space<vmem>>
      %dma_start3A_173 = arith.constant 0 : i32
      %dma_start3A_174 = tpu.memref_slice %arg8[%run_scoped3A_99, %dma_start3A_173] : memref<160x128xi32, #tpu.memory_space<vmem>> -> memref<1x128xi32, #tpu.memory_space<vmem>>
      %dma_start3A_175 = tpu.memref_squeeze %dma_start3A_174 : memref<1x128xi32, #tpu.memory_space<vmem>> -> memref<128xi32, #tpu.memory_space<vmem>>
      %dma_start3A_176 = arith.constant 0 : i32
      %dma_start3A_177 = arith.constant 0 : i32
      %dma_start3A_178 = tpu.memref_slice %arg10[%dma_start3A_176, %dma_start3A_177] : memref<10016x64xf32, #tpu.memory_space<vmem_shared>> -> memref<10016x64xf32, #tpu.memory_space<vmem_shared>>
      tpu.enqueue_indirect_dma source(%dma_start3A_172 : memref<128x64xf32, #tpu.memory_space<vmem>>) target(%dma_start3A_178 : memref<10016x64xf32, #tpu.memory_space<vmem_shared>>) offsets(%dma_start3A_175 : memref<128xi32, #tpu.memory_space<vmem>>) semaphore(%run_scoped3A_168 : memref<!tpu.dma_semaphore, #tpu.memory_space<semaphore_mem>>) {add = true}
      %dma_wait3A_179 = arith.constant 0 : i32
      %dma_wait3A_180 = arith.constant 0 : i32
      %dma_wait3A_181 = tpu.memref_slice %arg9[%run_scoped3A, %dma_wait3A_179, %dma_wait3A_180] : memref<4x128x64xf32, #tpu.memory_space<vmem>> -> memref<1x128x64xf32, #tpu.memory_space<vmem>>
      %dma_wait3A_182 = tpu.memref_squeeze %dma_wait3A_181 : memref<1x128x64xf32, #tpu.memory_space<vmem>> -> memref<128x64xf32, #tpu.memory_space<vmem>>
      %dma_wait3A_183 = arith.constant 0 : i32
      %dma_wait3A_184 = tpu.memref_slice %arg8[%run_scoped3A_99, %dma_wait3A_183] : memref<160x128xi32, #tpu.memory_space<vmem>> -> memref<1x128xi32, #tpu.memory_space<vmem>>
      %dma_wait3A_185 = tpu.memref_squeeze %dma_wait3A_184 : memref<1x128xi32, #tpu.memory_space<vmem>> -> memref<128xi32, #tpu.memory_space<vmem>>
      %dma_wait3A_186 = arith.constant 0 : i32
      %dma_wait3A_187 = arith.constant 0 : i32
      %dma_wait3A_188 = tpu.memref_slice %arg10[%dma_wait3A_186, %dma_wait3A_187] : memref<10016x64xf32, #tpu.memory_space<vmem_shared>> -> memref<10016x64xf32, #tpu.memory_space<vmem_shared>>
      tpu.wait_indirect_dma semaphore(%run_scoped3A_168 : memref<!tpu.dma_semaphore, #tpu.memory_space<semaphore_mem>>) src(%dma_wait3A_182 : memref<128x64xf32, #tpu.memory_space<vmem>>) dst(%dma_wait3A_188 : memref<10016x64xf32, #tpu.memory_space<vmem_shared>>)
      tpu.yield
    }) : () -> ()
    %dma_wait3A_100 = arith.constant 157 : i32
    %dma_wait3A_101 = arith.constant 1 : i32
    %dma_wait3A_102 = arith.constant 1 : i32
    %dma_wait3A_103 = arith.constant 0 : i32
    %dma_wait3A_104 = arith.constant 0 : i32
    %dma_wait3A_105 = tpu.memref_slice %arg9[%dma_wait3A_101, %dma_wait3A_103, %dma_wait3A_104] : memref<4x128x64xf32, #tpu.memory_space<vmem>> -> memref<1x128x64xf32, #tpu.memory_space<vmem>>
    %dma_wait3A_106 = tpu.memref_squeeze %dma_wait3A_105 : memref<1x128x64xf32, #tpu.memory_space<vmem>> -> memref<128x64xf32, #tpu.memory_space<vmem>>
    %dma_wait3A_107 = arith.constant 0 : i32
    %dma_wait3A_108 = tpu.memref_slice %arg7[%dma_wait3A_100, %dma_wait3A_107] : memref<160x128xi32, #tpu.memory_space<vmem>> -> memref<1x128xi32, #tpu.memory_space<vmem>>
    %dma_wait3A_109 = tpu.memref_squeeze %dma_wait3A_108 : memref<1x128xi32, #tpu.memory_space<vmem>> -> memref<128xi32, #tpu.memory_space<vmem>>
    %dma_wait3A_110 = arith.constant 0 : i32
    %dma_wait3A_111 = arith.constant 0 : i32
    %dma_wait3A_112 = tpu.memref_slice %arg2[%arg0, %dma_wait3A_110, %dma_wait3A_111] : memref<2x80000x64xf32, #tpu.memory_space<hbm>> -> memref<1x80000x64xf32, #tpu.memory_space<hbm>>
    %dma_wait3A_113 = tpu.memref_squeeze %dma_wait3A_112 : memref<1x80000x64xf32, #tpu.memory_space<hbm>> -> memref<80000x64xf32, #tpu.memory_space<hbm>>
    %dma_wait3A_114 = arith.constant 0 : i32
    %dma_wait3A_115 = arith.constant 0 : i32
    %dma_wait3A_116 = tpu.memref_slice %dma_wait3A_113[%dma_wait3A_114, %dma_wait3A_115] : memref<80000x64xf32, #tpu.memory_space<hbm>> -> memref<80000x64xf32, #tpu.memory_space<hbm>>
    %dma_wait3A_117 = tpu.memref_slice %arg11[%dma_wait3A_102] : memref<4x!tpu.dma_semaphore, #tpu.memory_space<semaphore_mem>> -> memref<1x!tpu.dma_semaphore, #tpu.memory_space<semaphore_mem>>
    %dma_wait3A_118 = tpu.memref_squeeze %dma_wait3A_117 : memref<1x!tpu.dma_semaphore, #tpu.memory_space<semaphore_mem>> -> memref<!tpu.dma_semaphore, #tpu.memory_space<semaphore_mem>>
    tpu.wait_indirect_dma semaphore(%dma_wait3A_118 : memref<!tpu.dma_semaphore, #tpu.memory_space<semaphore_mem>>) src(%dma_wait3A_116 : memref<80000x64xf32, #tpu.memory_space<hbm>>) dst(%dma_wait3A_106 : memref<128x64xf32, #tpu.memory_space<vmem>>)
    %run_scoped3A_119 = arith.constant 1 : i32
    %run_scoped3A_120 = arith.constant 157 : i32
    "tpu.region"() ({
      %run_scoped3A_168 = tpu.sem_alloc : memref<!tpu.dma_semaphore, #tpu.memory_space<semaphore_mem>>
      %dma_start3A_169 = arith.constant 0 : i32
      %dma_start3A_170 = arith.constant 0 : i32
      %dma_start3A_171 = tpu.memref_slice %arg9[%run_scoped3A_119, %dma_start3A_169, %dma_start3A_170] : memref<4x128x64xf32, #tpu.memory_space<vmem>> -> memref<1x128x64xf32, #tpu.memory_space<vmem>>
      %dma_start3A_172 = tpu.memref_squeeze %dma_start3A_171 : memref<1x128x64xf32, #tpu.memory_space<vmem>> -> memref<128x64xf32, #tpu.memory_space<vmem>>
      %dma_start3A_173 = arith.constant 0 : i32
      %dma_start3A_174 = tpu.memref_slice %arg8[%run_scoped3A_120, %dma_start3A_173] : memref<160x128xi32, #tpu.memory_space<vmem>> -> memref<1x128xi32, #tpu.memory_space<vmem>>
      %dma_start3A_175 = tpu.memref_squeeze %dma_start3A_174 : memref<1x128xi32, #tpu.memory_space<vmem>> -> memref<128xi32, #tpu.memory_space<vmem>>
      %dma_start3A_176 = arith.constant 0 : i32
      %dma_start3A_177 = arith.constant 0 : i32
      %dma_start3A_178 = tpu.memref_slice %arg10[%dma_start3A_176, %dma_start3A_177] : memref<10016x64xf32, #tpu.memory_space<vmem_shared>> -> memref<10016x64xf32, #tpu.memory_space<vmem_shared>>
      tpu.enqueue_indirect_dma source(%dma_start3A_172 : memref<128x64xf32, #tpu.memory_space<vmem>>) target(%dma_start3A_178 : memref<10016x64xf32, #tpu.memory_space<vmem_shared>>) offsets(%dma_start3A_175 : memref<128xi32, #tpu.memory_space<vmem>>) semaphore(%run_scoped3A_168 : memref<!tpu.dma_semaphore, #tpu.memory_space<semaphore_mem>>) {add = true}
      %dma_wait3A_179 = arith.constant 0 : i32
      %dma_wait3A_180 = arith.constant 0 : i32
      %dma_wait3A_181 = tpu.memref_slice %arg9[%run_scoped3A_119, %dma_wait3A_179, %dma_wait3A_180] : memref<4x128x64xf32, #tpu.memory_space<vmem>> -> memref<1x128x64xf32, #tpu.memory_space<vmem>>
      %dma_wait3A_182 = tpu.memref_squeeze %dma_wait3A_181 : memref<1x128x64xf32, #tpu.memory_space<vmem>> -> memref<128x64xf32, #tpu.memory_space<vmem>>
      %dma_wait3A_183 = arith.constant 0 : i32
      %dma_wait3A_184 = tpu.memref_slice %arg8[%run_scoped3A_120, %dma_wait3A_183] : memref<160x128xi32, #tpu.memory_space<vmem>> -> memref<1x128xi32, #tpu.memory_space<vmem>>
      %dma_wait3A_185 = tpu.memref_squeeze %dma_wait3A_184 : memref<1x128xi32, #tpu.memory_space<vmem>> -> memref<128xi32, #tpu.memory_space<vmem>>
      %dma_wait3A_186 = arith.constant 0 : i32
      %dma_wait3A_187 = arith.constant 0 : i32
      %dma_wait3A_188 = tpu.memref_slice %arg10[%dma_wait3A_186, %dma_wait3A_187] : memref<10016x64xf32, #tpu.memory_space<vmem_shared>> -> memref<10016x64xf32, #tpu.memory_space<vmem_shared>>
      tpu.wait_indirect_dma semaphore(%run_scoped3A_168 : memref<!tpu.dma_semaphore, #tpu.memory_space<semaphore_mem>>) src(%dma_wait3A_182 : memref<128x64xf32, #tpu.memory_space<vmem>>) dst(%dma_wait3A_188 : memref<10016x64xf32, #tpu.memory_space<vmem_shared>>)
      tpu.yield
    }) : () -> ()
    %dma_wait3A_121 = arith.constant 158 : i32
    %dma_wait3A_122 = arith.constant 2 : i32
    %dma_wait3A_123 = arith.constant 2 : i32
    %dma_wait3A_124 = arith.constant 0 : i32
    %dma_wait3A_125 = arith.constant 0 : i32
    %dma_wait3A_126 = tpu.memref_slice %arg9[%dma_wait3A_122, %dma_wait3A_124, %dma_wait3A_125] : memref<4x128x64xf32, #tpu.memory_space<vmem>> -> memref<1x128x64xf32, #tpu.memory_space<vmem>>
    %dma_wait3A_127 = tpu.memref_squeeze %dma_wait3A_126 : memref<1x128x64xf32, #tpu.memory_space<vmem>> -> memref<128x64xf32, #tpu.memory_space<vmem>>
    %dma_wait3A_128 = arith.constant 0 : i32
    %dma_wait3A_129 = tpu.memref_slice %arg7[%dma_wait3A_121, %dma_wait3A_128] : memref<160x128xi32, #tpu.memory_space<vmem>> -> memref<1x128xi32, #tpu.memory_space<vmem>>
    %dma_wait3A_130 = tpu.memref_squeeze %dma_wait3A_129 : memref<1x128xi32, #tpu.memory_space<vmem>> -> memref<128xi32, #tpu.memory_space<vmem>>
    %dma_wait3A_131 = arith.constant 0 : i32
    %dma_wait3A_132 = arith.constant 0 : i32
    %dma_wait3A_133 = tpu.memref_slice %arg2[%arg0, %dma_wait3A_131, %dma_wait3A_132] : memref<2x80000x64xf32, #tpu.memory_space<hbm>> -> memref<1x80000x64xf32, #tpu.memory_space<hbm>>
    %dma_wait3A_134 = tpu.memref_squeeze %dma_wait3A_133 : memref<1x80000x64xf32, #tpu.memory_space<hbm>> -> memref<80000x64xf32, #tpu.memory_space<hbm>>
    %dma_wait3A_135 = arith.constant 0 : i32
    %dma_wait3A_136 = arith.constant 0 : i32
    %dma_wait3A_137 = tpu.memref_slice %dma_wait3A_134[%dma_wait3A_135, %dma_wait3A_136] : memref<80000x64xf32, #tpu.memory_space<hbm>> -> memref<80000x64xf32, #tpu.memory_space<hbm>>
    %dma_wait3A_138 = tpu.memref_slice %arg11[%dma_wait3A_123] : memref<4x!tpu.dma_semaphore, #tpu.memory_space<semaphore_mem>> -> memref<1x!tpu.dma_semaphore, #tpu.memory_space<semaphore_mem>>
    %dma_wait3A_139 = tpu.memref_squeeze %dma_wait3A_138 : memref<1x!tpu.dma_semaphore, #tpu.memory_space<semaphore_mem>> -> memref<!tpu.dma_semaphore, #tpu.memory_space<semaphore_mem>>
    tpu.wait_indirect_dma semaphore(%dma_wait3A_139 : memref<!tpu.dma_semaphore, #tpu.memory_space<semaphore_mem>>) src(%dma_wait3A_137 : memref<80000x64xf32, #tpu.memory_space<hbm>>) dst(%dma_wait3A_127 : memref<128x64xf32, #tpu.memory_space<vmem>>)
    %run_scoped3A_140 = arith.constant 2 : i32
    %run_scoped3A_141 = arith.constant 158 : i32
    "tpu.region"() ({
      %run_scoped3A_168 = tpu.sem_alloc : memref<!tpu.dma_semaphore, #tpu.memory_space<semaphore_mem>>
      %dma_start3A_169 = arith.constant 0 : i32
      %dma_start3A_170 = arith.constant 0 : i32
      %dma_start3A_171 = tpu.memref_slice %arg9[%run_scoped3A_140, %dma_start3A_169, %dma_start3A_170] : memref<4x128x64xf32, #tpu.memory_space<vmem>> -> memref<1x128x64xf32, #tpu.memory_space<vmem>>
      %dma_start3A_172 = tpu.memref_squeeze %dma_start3A_171 : memref<1x128x64xf32, #tpu.memory_space<vmem>> -> memref<128x64xf32, #tpu.memory_space<vmem>>
      %dma_start3A_173 = arith.constant 0 : i32
      %dma_start3A_174 = tpu.memref_slice %arg8[%run_scoped3A_141, %dma_start3A_173] : memref<160x128xi32, #tpu.memory_space<vmem>> -> memref<1x128xi32, #tpu.memory_space<vmem>>
      %dma_start3A_175 = tpu.memref_squeeze %dma_start3A_174 : memref<1x128xi32, #tpu.memory_space<vmem>> -> memref<128xi32, #tpu.memory_space<vmem>>
      %dma_start3A_176 = arith.constant 0 : i32
      %dma_start3A_177 = arith.constant 0 : i32
      %dma_start3A_178 = tpu.memref_slice %arg10[%dma_start3A_176, %dma_start3A_177] : memref<10016x64xf32, #tpu.memory_space<vmem_shared>> -> memref<10016x64xf32, #tpu.memory_space<vmem_shared>>
      tpu.enqueue_indirect_dma source(%dma_start3A_172 : memref<128x64xf32, #tpu.memory_space<vmem>>) target(%dma_start3A_178 : memref<10016x64xf32, #tpu.memory_space<vmem_shared>>) offsets(%dma_start3A_175 : memref<128xi32, #tpu.memory_space<vmem>>) semaphore(%run_scoped3A_168 : memref<!tpu.dma_semaphore, #tpu.memory_space<semaphore_mem>>) {add = true}
      %dma_wait3A_179 = arith.constant 0 : i32
      %dma_wait3A_180 = arith.constant 0 : i32
      %dma_wait3A_181 = tpu.memref_slice %arg9[%run_scoped3A_140, %dma_wait3A_179, %dma_wait3A_180] : memref<4x128x64xf32, #tpu.memory_space<vmem>> -> memref<1x128x64xf32, #tpu.memory_space<vmem>>
      %dma_wait3A_182 = tpu.memref_squeeze %dma_wait3A_181 : memref<1x128x64xf32, #tpu.memory_space<vmem>> -> memref<128x64xf32, #tpu.memory_space<vmem>>
      %dma_wait3A_183 = arith.constant 0 : i32
      %dma_wait3A_184 = tpu.memref_slice %arg8[%run_scoped3A_141, %dma_wait3A_183] : memref<160x128xi32, #tpu.memory_space<vmem>> -> memref<1x128xi32, #tpu.memory_space<vmem>>
      %dma_wait3A_185 = tpu.memref_squeeze %dma_wait3A_184 : memref<1x128xi32, #tpu.memory_space<vmem>> -> memref<128xi32, #tpu.memory_space<vmem>>
      %dma_wait3A_186 = arith.constant 0 : i32
      %dma_wait3A_187 = arith.constant 0 : i32
      %dma_wait3A_188 = tpu.memref_slice %arg10[%dma_wait3A_186, %dma_wait3A_187] : memref<10016x64xf32, #tpu.memory_space<vmem_shared>> -> memref<10016x64xf32, #tpu.memory_space<vmem_shared>>
      tpu.wait_indirect_dma semaphore(%run_scoped3A_168 : memref<!tpu.dma_semaphore, #tpu.memory_space<semaphore_mem>>) src(%dma_wait3A_182 : memref<128x64xf32, #tpu.memory_space<vmem>>) dst(%dma_wait3A_188 : memref<10016x64xf32, #tpu.memory_space<vmem_shared>>)
      tpu.yield
    }) : () -> ()
    %dma_wait3A_142 = arith.constant 159 : i32
    %dma_wait3A_143 = arith.constant 3 : i32
    %dma_wait3A_144 = arith.constant 3 : i32
    %dma_wait3A_145 = arith.constant 0 : i32
    %dma_wait3A_146 = arith.constant 0 : i32
    %dma_wait3A_147 = tpu.memref_slice %arg9[%dma_wait3A_143, %dma_wait3A_145, %dma_wait3A_146] : memref<4x128x64xf32, #tpu.memory_space<vmem>> -> memref<1x128x64xf32, #tpu.memory_space<vmem>>
    %dma_wait3A_148 = tpu.memref_squeeze %dma_wait3A_147 : memref<1x128x64xf32, #tpu.memory_space<vmem>> -> memref<128x64xf32, #tpu.memory_space<vmem>>
    %dma_wait3A_149 = arith.constant 0 : i32
    %dma_wait3A_150 = tpu.memref_slice %arg7[%dma_wait3A_142, %dma_wait3A_149] : memref<160x128xi32, #tpu.memory_space<vmem>> -> memref<1x128xi32, #tpu.memory_space<vmem>>
    %dma_wait3A_151 = tpu.memref_squeeze %dma_wait3A_150 : memref<1x128xi32, #tpu.memory_space<vmem>> -> memref<128xi32, #tpu.memory_space<vmem>>
    %dma_wait3A_152 = arith.constant 0 : i32
    %dma_wait3A_153 = arith.constant 0 : i32
    %dma_wait3A_154 = tpu.memref_slice %arg2[%arg0, %dma_wait3A_152, %dma_wait3A_153] : memref<2x80000x64xf32, #tpu.memory_space<hbm>> -> memref<1x80000x64xf32, #tpu.memory_space<hbm>>
    %dma_wait3A_155 = tpu.memref_squeeze %dma_wait3A_154 : memref<1x80000x64xf32, #tpu.memory_space<hbm>> -> memref<80000x64xf32, #tpu.memory_space<hbm>>
    %dma_wait3A_156 = arith.constant 0 : i32
    %dma_wait3A_157 = arith.constant 0 : i32
    %dma_wait3A_158 = tpu.memref_slice %dma_wait3A_155[%dma_wait3A_156, %dma_wait3A_157] : memref<80000x64xf32, #tpu.memory_space<hbm>> -> memref<80000x64xf32, #tpu.memory_space<hbm>>
    %dma_wait3A_159 = tpu.memref_slice %arg11[%dma_wait3A_144] : memref<4x!tpu.dma_semaphore, #tpu.memory_space<semaphore_mem>> -> memref<1x!tpu.dma_semaphore, #tpu.memory_space<semaphore_mem>>
    %dma_wait3A_160 = tpu.memref_squeeze %dma_wait3A_159 : memref<1x!tpu.dma_semaphore, #tpu.memory_space<semaphore_mem>> -> memref<!tpu.dma_semaphore, #tpu.memory_space<semaphore_mem>>
    tpu.wait_indirect_dma semaphore(%dma_wait3A_160 : memref<!tpu.dma_semaphore, #tpu.memory_space<semaphore_mem>>) src(%dma_wait3A_158 : memref<80000x64xf32, #tpu.memory_space<hbm>>) dst(%dma_wait3A_148 : memref<128x64xf32, #tpu.memory_space<vmem>>)
    %run_scoped3A_161 = arith.constant 3 : i32
    %run_scoped3A_162 = arith.constant 159 : i32
    "tpu.region"() ({
      %run_scoped3A_168 = tpu.sem_alloc : memref<!tpu.dma_semaphore, #tpu.memory_space<semaphore_mem>>
      %dma_start3A_169 = arith.constant 0 : i32
      %dma_start3A_170 = arith.constant 0 : i32
      %dma_start3A_171 = tpu.memref_slice %arg9[%run_scoped3A_161, %dma_start3A_169, %dma_start3A_170] : memref<4x128x64xf32, #tpu.memory_space<vmem>> -> memref<1x128x64xf32, #tpu.memory_space<vmem>>
      %dma_start3A_172 = tpu.memref_squeeze %dma_start3A_171 : memref<1x128x64xf32, #tpu.memory_space<vmem>> -> memref<128x64xf32, #tpu.memory_space<vmem>>
      %dma_start3A_173 = arith.constant 0 : i32
      %dma_start3A_174 = tpu.memref_slice %arg8[%run_scoped3A_162, %dma_start3A_173] : memref<160x128xi32, #tpu.memory_space<vmem>> -> memref<1x128xi32, #tpu.memory_space<vmem>>
      %dma_start3A_175 = tpu.memref_squeeze %dma_start3A_174 : memref<1x128xi32, #tpu.memory_space<vmem>> -> memref<128xi32, #tpu.memory_space<vmem>>
      %dma_start3A_176 = arith.constant 0 : i32
      %dma_start3A_177 = arith.constant 0 : i32
      %dma_start3A_178 = tpu.memref_slice %arg10[%dma_start3A_176, %dma_start3A_177] : memref<10016x64xf32, #tpu.memory_space<vmem_shared>> -> memref<10016x64xf32, #tpu.memory_space<vmem_shared>>
      tpu.enqueue_indirect_dma source(%dma_start3A_172 : memref<128x64xf32, #tpu.memory_space<vmem>>) target(%dma_start3A_178 : memref<10016x64xf32, #tpu.memory_space<vmem_shared>>) offsets(%dma_start3A_175 : memref<128xi32, #tpu.memory_space<vmem>>) semaphore(%run_scoped3A_168 : memref<!tpu.dma_semaphore, #tpu.memory_space<semaphore_mem>>) {add = true}
      %dma_wait3A_179 = arith.constant 0 : i32
      %dma_wait3A_180 = arith.constant 0 : i32
      %dma_wait3A_181 = tpu.memref_slice %arg9[%run_scoped3A_161, %dma_wait3A_179, %dma_wait3A_180] : memref<4x128x64xf32, #tpu.memory_space<vmem>> -> memref<1x128x64xf32, #tpu.memory_space<vmem>>
      %dma_wait3A_182 = tpu.memref_squeeze %dma_wait3A_181 : memref<1x128x64xf32, #tpu.memory_space<vmem>> -> memref<128x64xf32, #tpu.memory_space<vmem>>
      %dma_wait3A_183 = arith.constant 0 : i32
      %dma_wait3A_184 = tpu.memref_slice %arg8[%run_scoped3A_162, %dma_wait3A_183] : memref<160x128xi32, #tpu.memory_space<vmem>> -> memref<1x128xi32, #tpu.memory_space<vmem>>
      %dma_wait3A_185 = tpu.memref_squeeze %dma_wait3A_184 : memref<1x128xi32, #tpu.memory_space<vmem>> -> memref<128xi32, #tpu.memory_space<vmem>>
      %dma_wait3A_186 = arith.constant 0 : i32
      %dma_wait3A_187 = arith.constant 0 : i32
      %dma_wait3A_188 = tpu.memref_slice %arg10[%dma_wait3A_186, %dma_wait3A_187] : memref<10016x64xf32, #tpu.memory_space<vmem_shared>> -> memref<10016x64xf32, #tpu.memory_space<vmem_shared>>
      tpu.wait_indirect_dma semaphore(%run_scoped3A_168 : memref<!tpu.dma_semaphore, #tpu.memory_space<semaphore_mem>>) src(%dma_wait3A_182 : memref<128x64xf32, #tpu.memory_space<vmem>>) dst(%dma_wait3A_188 : memref<10016x64xf32, #tpu.memory_space<vmem_shared>>)
      tpu.yield
    }) : () -> ()
    %barrier3A_163 = arith.constant 0 : index
    tpu.barrier barrier_id(%barrier3A_163)
    %mul3A_164 = arith.constant 626 : i32
    %mul3A_165 = arith.muli %arg1, %mul3A_164 : i32
    %mul3A_166 = arith.constant 626 : i32
    %mul3A_167 = arith.muli %arg1, %mul3A_166 : i32
    "tpu.region"() ({
      %run_scoped3A_168 = tpu.sem_alloc : memref<!tpu.dma_semaphore, #tpu.memory_space<semaphore_mem>>
      %dma_start3A_169 = arith.constant 0 : i32
      %dma_start3A_170 = tpu.memref_slice %arg6[%arg0, %mul3A_167, %dma_start3A_169] : memref<2x10016x64xf32, #tpu.memory_space<hbm>> -> memref<1x626x64xf32, #tpu.memory_space<hbm>>
      %dma_start3A_171 = tpu.memref_squeeze %dma_start3A_170 : memref<1x626x64xf32, #tpu.memory_space<hbm>> -> memref<626x64xf32, #tpu.memory_space<hbm>>
      %dma_start3A_172 = arith.constant 0 : i32
      %dma_start3A_173 = tpu.memref_slice %arg10[%mul3A_165, %dma_start3A_172] : memref<10016x64xf32, #tpu.memory_space<vmem_shared>> -> memref<626x64xf32, #tpu.memory_space<vmem_shared>>
      tpu.enqueue_dma source(%dma_start3A_173 : memref<626x64xf32, #tpu.memory_space<vmem_shared>>) target(%dma_start3A_171 : memref<626x64xf32, #tpu.memory_space<hbm>>) target_semaphore(%run_scoped3A_168 : memref<!tpu.dma_semaphore, #tpu.memory_space<semaphore_mem>>)
      %dma_wait3A_174 = arith.constant 0 : i32
      %dma_wait3A_175 = tpu.memref_slice %arg6[%arg0, %mul3A_167, %dma_wait3A_174] : memref<2x10016x64xf32, #tpu.memory_space<hbm>> -> memref<1x626x64xf32, #tpu.memory_space<hbm>>
      %dma_wait3A_176 = tpu.memref_squeeze %dma_wait3A_175 : memref<1x626x64xf32, #tpu.memory_space<hbm>> -> memref<626x64xf32, #tpu.memory_space<hbm>>
      %dma_wait3A_177 = arith.constant 0 : i32
      %dma_wait3A_178 = tpu.memref_slice %arg10[%mul3A_165, %dma_wait3A_177] : memref<10016x64xf32, #tpu.memory_space<vmem_shared>> -> memref<626x64xf32, #tpu.memory_space<vmem_shared>>
      tpu.wait_dma2 semaphore(%run_scoped3A_168 : memref<!tpu.dma_semaphore, #tpu.memory_space<semaphore_mem>>) src(%dma_wait3A_178 : memref<626x64xf32, #tpu.memory_space<vmem_shared>>) dst(%dma_wait3A_176 : memref<626x64xf32, #tpu.memory_space<hbm>>)
      tpu.yield
    }) : () -> ()
    return
  }
}

module attributes {stable_mosaic.version = 14 : i64} {
  func.func @_enc_body(%arg0: i32, %arg1: memref<1000x128xf32, #tpu.memory_space<vmem>>, %arg2: memref<128x128xf32, #tpu.memory_space<vmem>>, %arg3: memref<1x128xf32, #tpu.memory_space<vmem>>, %arg4: memref<8x128x128xf32, #tpu.memory_space<vmem>>, %arg5: memref<1000x128xf32, #tpu.memory_space<vmem>>, %arg6: memref<2x8x1000x64xf32, #tpu.memory_space<vmem>>) attributes {dimension_semantics = [#tpu.dimension_semantics<arbitrary>], iteration_bounds = array<i64: 10>, scalar_prefetch = 0 : i64, scratch_operands = 0 : i64, tpu.core_type = #tpu.core_type<tc>, window_params = [{transform_indices = @transform_0, window_bounds = array<i64: 1000, 128>}, {pipeline_mode = #tpu.pipeline_mode<synchronous>, transform_indices = @transform_1, window_bounds = array<i64: 128, 128>}, {pipeline_mode = #tpu.pipeline_mode<synchronous>, transform_indices = @transform_2, window_bounds = array<i64: 1, 128>}, {pipeline_mode = #tpu.pipeline_mode<synchronous>, transform_indices = @transform_3, window_bounds = array<i64: 8, 128, 128>}, {transform_indices = @transform_4, window_bounds = array<i64: 1000, 128>}, {transform_indices = @transform_5, window_bounds = array<i64: 2, 8, 1000, 64>}]} {
    %get3A = arith.constant 0 : index
    %get3A_0 = arith.constant 0 : index
    %get3A_1 = vector.load %arg1[%get3A, %get3A_0] : memref<1000x128xf32, #tpu.memory_space<vmem>>, vector<1000x128xf32>
    %get3A_2 = arith.constant 0 : index
    %get3A_3 = arith.constant 0 : index
    %get3A_4 = vector.load %arg2[%get3A_2, %get3A_3] : memref<128x128xf32, #tpu.memory_space<vmem>>, vector<128x128xf32>
    %dot_general3A = arith.constant dense<0.000000e+00> : vector<1000x128xf32>
    %dot_general3A_5 = tpu.matmul %get3A_1, %get3A_4, %dot_general3A {dimension_numbers = #tpu.dot_dimension_numbers<[1], [0], [0], [1], [0, 0, 1, 1], [], []>, transpose_lhs_hint = false} : vector<1000x128xf32>, vector<128x128xf32>, vector<1000x128xf32> -> vector<1000x128xf32>
    %get3A_6 = arith.constant 0 : index
    %get3A_7 = arith.constant 0 : index
    %get3A_8 = vector.load %arg3[%get3A_6, %get3A_7] : memref<1x128xf32, #tpu.memory_space<vmem>>, vector<1x128xf32>
    %add3A = vector.broadcast %get3A_8 : vector<1x128xf32> to vector<1000x128xf32>
    %add3A_9 = arith.addf %dot_general3A_5, %add3A : vector<1000x128xf32>
    %max3A = arith.constant 0.000000e+00 : f32
    %max3A_10 = vector.broadcast %max3A : f32 to vector<1000x128xf32>
    %max3A_11 = arith.maximumf %add3A_9, %max3A_10 : vector<1000x128xf32>
    %swap3A = arith.constant 0 : index
    %swap3A_12 = arith.constant 0 : index
    %swap3A_13 = vector.load %arg5[%swap3A, %swap3A_12] : memref<1000x128xf32, #tpu.memory_space<vmem>>, vector<1000x128xf32>
    tpu.vector_store %arg5[%swap3A, %swap3A_12], %max3A_11 {strides = array<i32>} : memref<1000x128xf32, #tpu.memory_space<vmem>>, vector<1000x128xf32>,
    %get3A_14 = arith.constant 0 : index
    %get3A_15 = arith.constant 0 : index
    %get3A_16 = arith.constant 0 : index
    %get3A_17 = vector.load %arg4[%get3A_14, %get3A_15, %get3A_16] : memref<8x128x128xf32, #tpu.memory_space<vmem>>, vector<1x128x128xf32>
    %get3A_18 = vector.shape_cast %get3A_17 : vector<1x128x128xf32> to vector<128x128xf32>
    %dot_general3A_19 = arith.constant dense<0.000000e+00> : vector<1000x128xf32>
    %dot_general3A_20 = tpu.matmul %max3A_11, %get3A_18, %dot_general3A_19 {dimension_numbers = #tpu.dot_dimension_numbers<[1], [0], [0], [1], [0, 0, 1, 1], [], []>, transpose_lhs_hint = false} : vector<1000x128xf32>, vector<128x128xf32>, vector<1000x128xf32> -> vector<1000x128xf32>
    %slice3A = vector.extract_strided_slice %dot_general3A_20 {offsets = [0, 0], sizes = [1000, 64], strides = [1, 1]} : vector<1000x128xf32> to vector<1000x64xf32>
    %swap3A_21 = arith.constant 0 : index
    %swap3A_22 = arith.constant 0 : index
    %swap3A_23 = arith.constant 0 : index
    %swap3A_24 = arith.constant 0 : index
    %swap3A_25 = vector.load %arg6[%swap3A_21, %swap3A_22, %swap3A_23, %swap3A_24] : memref<2x8x1000x64xf32, #tpu.memory_space<vmem>>, vector<1x1x1000x64xf32>
    %swap3A_26 = vector.shape_cast %swap3A_25 : vector<1x1x1000x64xf32> to vector<1000x64xf32>
    %swap3A_27 = vector.shape_cast %slice3A : vector<1000x64xf32> to vector<1x1x1000x64xf32>
    tpu.vector_store %arg6[%swap3A_21, %swap3A_22, %swap3A_23, %swap3A_24], %swap3A_27 {strides = array<i32>} : memref<2x8x1000x64xf32, #tpu.memory_space<vmem>>, vector<1x1x1000x64xf32>,
    %slice3A_28 = vector.extract_strided_slice %dot_general3A_20 {offsets = [0, 64], sizes = [1000, 64], strides = [1, 1]} : vector<1000x128xf32> to vector<1000x64xf32>
    %swap3A_29 = arith.constant 1 : index
    %swap3A_30 = arith.constant 0 : index
    %swap3A_31 = arith.constant 0 : index
    %swap3A_32 = arith.constant 0 : index
    %swap3A_33 = vector.load %arg6[%swap3A_29, %swap3A_30, %swap3A_31, %swap3A_32] : memref<2x8x1000x64xf32, #tpu.memory_space<vmem>>, vector<1x1x1000x64xf32>
    %swap3A_34 = vector.shape_cast %swap3A_33 : vector<1x1x1000x64xf32> to vector<1000x64xf32>
    %swap3A_35 = vector.shape_cast %slice3A_28 : vector<1000x64xf32> to vector<1x1x1000x64xf32>
    tpu.vector_store %arg6[%swap3A_29, %swap3A_30, %swap3A_31, %swap3A_32], %swap3A_35 {strides = array<i32>} : memref<2x8x1000x64xf32, #tpu.memory_space<vmem>>, vector<1x1x1000x64xf32>,
    %get3A_36 = arith.constant 1 : index
    %get3A_37 = arith.constant 0 : index
    %get3A_38 = arith.constant 0 : index
    %get3A_39 = vector.load %arg4[%get3A_36, %get3A_37, %get3A_38] : memref<8x128x128xf32, #tpu.memory_space<vmem>>, vector<1x128x128xf32>
    %get3A_40 = vector.shape_cast %get3A_39 : vector<1x128x128xf32> to vector<128x128xf32>
    %dot_general3A_41 = arith.constant dense<0.000000e+00> : vector<1000x128xf32>
    %dot_general3A_42 = tpu.matmul %max3A_11, %get3A_40, %dot_general3A_41 {dimension_numbers = #tpu.dot_dimension_numbers<[1], [0], [0], [1], [0, 0, 1, 1], [], []>, transpose_lhs_hint = false} : vector<1000x128xf32>, vector<128x128xf32>, vector<1000x128xf32> -> vector<1000x128xf32>
    %slice3A_43 = vector.extract_strided_slice %dot_general3A_42 {offsets = [0, 0], sizes = [1000, 64], strides = [1, 1]} : vector<1000x128xf32> to vector<1000x64xf32>
    %swap3A_44 = arith.constant 0 : index
    %swap3A_45 = arith.constant 1 : index
    %swap3A_46 = arith.constant 0 : index
    %swap3A_47 = arith.constant 0 : index
    %swap3A_48 = vector.load %arg6[%swap3A_44, %swap3A_45, %swap3A_46, %swap3A_47] : memref<2x8x1000x64xf32, #tpu.memory_space<vmem>>, vector<1x1x1000x64xf32>
    %swap3A_49 = vector.shape_cast %swap3A_48 : vector<1x1x1000x64xf32> to vector<1000x64xf32>
    %swap3A_50 = vector.shape_cast %slice3A_43 : vector<1000x64xf32> to vector<1x1x1000x64xf32>
    tpu.vector_store %arg6[%swap3A_44, %swap3A_45, %swap3A_46, %swap3A_47], %swap3A_50 {strides = array<i32>} : memref<2x8x1000x64xf32, #tpu.memory_space<vmem>>, vector<1x1x1000x64xf32>,
    %slice3A_51 = vector.extract_strided_slice %dot_general3A_42 {offsets = [0, 64], sizes = [1000, 64], strides = [1, 1]} : vector<1000x128xf32> to vector<1000x64xf32>
    %swap3A_52 = arith.constant 1 : index
    %swap3A_53 = arith.constant 1 : index
    %swap3A_54 = arith.constant 0 : index
    %swap3A_55 = arith.constant 0 : index
    %swap3A_56 = vector.load %arg6[%swap3A_52, %swap3A_53, %swap3A_54, %swap3A_55] : memref<2x8x1000x64xf32, #tpu.memory_space<vmem>>, vector<1x1x1000x64xf32>
    %swap3A_57 = vector.shape_cast %swap3A_56 : vector<1x1x1000x64xf32> to vector<1000x64xf32>
    %swap3A_58 = vector.shape_cast %slice3A_51 : vector<1000x64xf32> to vector<1x1x1000x64xf32>
    tpu.vector_store %arg6[%swap3A_52, %swap3A_53, %swap3A_54, %swap3A_55], %swap3A_58 {strides = array<i32>} : memref<2x8x1000x64xf32, #tpu.memory_space<vmem>>, vector<1x1x1000x64xf32>,
    %get3A_59 = arith.constant 2 : index
    %get3A_60 = arith.constant 0 : index
    %get3A_61 = arith.constant 0 : index
    %get3A_62 = vector.load %arg4[%get3A_59, %get3A_60, %get3A_61] : memref<8x128x128xf32, #tpu.memory_space<vmem>>, vector<1x128x128xf32>
    %get3A_63 = vector.shape_cast %get3A_62 : vector<1x128x128xf32> to vector<128x128xf32>
    %dot_general3A_64 = arith.constant dense<0.000000e+00> : vector<1000x128xf32>
    %dot_general3A_65 = tpu.matmul %max3A_11, %get3A_63, %dot_general3A_64 {dimension_numbers = #tpu.dot_dimension_numbers<[1], [0], [0], [1], [0, 0, 1, 1], [], []>, transpose_lhs_hint = false} : vector<1000x128xf32>, vector<128x128xf32>, vector<1000x128xf32> -> vector<1000x128xf32>
    %slice3A_66 = vector.extract_strided_slice %dot_general3A_65 {offsets = [0, 0], sizes = [1000, 64], strides = [1, 1]} : vector<1000x128xf32> to vector<1000x64xf32>
    %swap3A_67 = arith.constant 0 : index
    %swap3A_68 = arith.constant 2 : index
    %swap3A_69 = arith.constant 0 : index
    %swap3A_70 = arith.constant 0 : index
    %swap3A_71 = vector.load %arg6[%swap3A_67, %swap3A_68, %swap3A_69, %swap3A_70] : memref<2x8x1000x64xf32, #tpu.memory_space<vmem>>, vector<1x1x1000x64xf32>
    %swap3A_72 = vector.shape_cast %swap3A_71 : vector<1x1x1000x64xf32> to vector<1000x64xf32>
    %swap3A_73 = vector.shape_cast %slice3A_66 : vector<1000x64xf32> to vector<1x1x1000x64xf32>
    tpu.vector_store %arg6[%swap3A_67, %swap3A_68, %swap3A_69, %swap3A_70], %swap3A_73 {strides = array<i32>} : memref<2x8x1000x64xf32, #tpu.memory_space<vmem>>, vector<1x1x1000x64xf32>,
    %slice3A_74 = vector.extract_strided_slice %dot_general3A_65 {offsets = [0, 64], sizes = [1000, 64], strides = [1, 1]} : vector<1000x128xf32> to vector<1000x64xf32>
    %swap3A_75 = arith.constant 1 : index
    %swap3A_76 = arith.constant 2 : index
    %swap3A_77 = arith.constant 0 : index
    %swap3A_78 = arith.constant 0 : index
    %swap3A_79 = vector.load %arg6[%swap3A_75, %swap3A_76, %swap3A_77, %swap3A_78] : memref<2x8x1000x64xf32, #tpu.memory_space<vmem>>, vector<1x1x1000x64xf32>
    %swap3A_80 = vector.shape_cast %swap3A_79 : vector<1x1x1000x64xf32> to vector<1000x64xf32>
    %swap3A_81 = vector.shape_cast %slice3A_74 : vector<1000x64xf32> to vector<1x1x1000x64xf32>
    tpu.vector_store %arg6[%swap3A_75, %swap3A_76, %swap3A_77, %swap3A_78], %swap3A_81 {strides = array<i32>} : memref<2x8x1000x64xf32, #tpu.memory_space<vmem>>, vector<1x1x1000x64xf32>,
    %get3A_82 = arith.constant 3 : index
    %get3A_83 = arith.constant 0 : index
    %get3A_84 = arith.constant 0 : index
    %get3A_85 = vector.load %arg4[%get3A_82, %get3A_83, %get3A_84] : memref<8x128x128xf32, #tpu.memory_space<vmem>>, vector<1x128x128xf32>
    %get3A_86 = vector.shape_cast %get3A_85 : vector<1x128x128xf32> to vector<128x128xf32>
    %dot_general3A_87 = arith.constant dense<0.000000e+00> : vector<1000x128xf32>
    %dot_general3A_88 = tpu.matmul %max3A_11, %get3A_86, %dot_general3A_87 {dimension_numbers = #tpu.dot_dimension_numbers<[1], [0], [0], [1], [0, 0, 1, 1], [], []>, transpose_lhs_hint = false} : vector<1000x128xf32>, vector<128x128xf32>, vector<1000x128xf32> -> vector<1000x128xf32>
    %slice3A_89 = vector.extract_strided_slice %dot_general3A_88 {offsets = [0, 0], sizes = [1000, 64], strides = [1, 1]} : vector<1000x128xf32> to vector<1000x64xf32>
    %swap3A_90 = arith.constant 0 : index
    %swap3A_91 = arith.constant 3 : index
    %swap3A_92 = arith.constant 0 : index
    %swap3A_93 = arith.constant 0 : index
    %swap3A_94 = vector.load %arg6[%swap3A_90, %swap3A_91, %swap3A_92, %swap3A_93] : memref<2x8x1000x64xf32, #tpu.memory_space<vmem>>, vector<1x1x1000x64xf32>
    %swap3A_95 = vector.shape_cast %swap3A_94 : vector<1x1x1000x64xf32> to vector<1000x64xf32>
    %swap3A_96 = vector.shape_cast %slice3A_89 : vector<1000x64xf32> to vector<1x1x1000x64xf32>
    tpu.vector_store %arg6[%swap3A_90, %swap3A_91, %swap3A_92, %swap3A_93], %swap3A_96 {strides = array<i32>} : memref<2x8x1000x64xf32, #tpu.memory_space<vmem>>, vector<1x1x1000x64xf32>,
    %slice3A_97 = vector.extract_strided_slice %dot_general3A_88 {offsets = [0, 64], sizes = [1000, 64], strides = [1, 1]} : vector<1000x128xf32> to vector<1000x64xf32>
    %swap3A_98 = arith.constant 1 : index
    %swap3A_99 = arith.constant 3 : index
    %swap3A_100 = arith.constant 0 : index
    %swap3A_101 = arith.constant 0 : index
    %swap3A_102 = vector.load %arg6[%swap3A_98, %swap3A_99, %swap3A_100, %swap3A_101] : memref<2x8x1000x64xf32, #tpu.memory_space<vmem>>, vector<1x1x1000x64xf32>
    %swap3A_103 = vector.shape_cast %swap3A_102 : vector<1x1x1000x64xf32> to vector<1000x64xf32>
    %swap3A_104 = vector.shape_cast %slice3A_97 : vector<1000x64xf32> to vector<1x1x1000x64xf32>
    tpu.vector_store %arg6[%swap3A_98, %swap3A_99, %swap3A_100, %swap3A_101], %swap3A_104 {strides = array<i32>} : memref<2x8x1000x64xf32, #tpu.memory_space<vmem>>, vector<1x1x1000x64xf32>,
    %get3A_105 = arith.constant 4 : index
    %get3A_106 = arith.constant 0 : index
    %get3A_107 = arith.constant 0 : index
    %get3A_108 = vector.load %arg4[%get3A_105, %get3A_106, %get3A_107] : memref<8x128x128xf32, #tpu.memory_space<vmem>>, vector<1x128x128xf32>
    %get3A_109 = vector.shape_cast %get3A_108 : vector<1x128x128xf32> to vector<128x128xf32>
    %dot_general3A_110 = arith.constant dense<0.000000e+00> : vector<1000x128xf32>
    %dot_general3A_111 = tpu.matmul %max3A_11, %get3A_109, %dot_general3A_110 {dimension_numbers = #tpu.dot_dimension_numbers<[1], [0], [0], [1], [0, 0, 1, 1], [], []>, transpose_lhs_hint = false} : vector<1000x128xf32>, vector<128x128xf32>, vector<1000x128xf32> -> vector<1000x128xf32>
    %slice3A_112 = vector.extract_strided_slice %dot_general3A_111 {offsets = [0, 0], sizes = [1000, 64], strides = [1, 1]} : vector<1000x128xf32> to vector<1000x64xf32>
    %swap3A_113 = arith.constant 0 : index
    %swap3A_114 = arith.constant 4 : index
    %swap3A_115 = arith.constant 0 : index
    %swap3A_116 = arith.constant 0 : index
    %swap3A_117 = vector.load %arg6[%swap3A_113, %swap3A_114, %swap3A_115, %swap3A_116] : memref<2x8x1000x64xf32, #tpu.memory_space<vmem>>, vector<1x1x1000x64xf32>
    %swap3A_118 = vector.shape_cast %swap3A_117 : vector<1x1x1000x64xf32> to vector<1000x64xf32>
    %swap3A_119 = vector.shape_cast %slice3A_112 : vector<1000x64xf32> to vector<1x1x1000x64xf32>
    tpu.vector_store %arg6[%swap3A_113, %swap3A_114, %swap3A_115, %swap3A_116], %swap3A_119 {strides = array<i32>} : memref<2x8x1000x64xf32, #tpu.memory_space<vmem>>, vector<1x1x1000x64xf32>,
    %slice3A_120 = vector.extract_strided_slice %dot_general3A_111 {offsets = [0, 64], sizes = [1000, 64], strides = [1, 1]} : vector<1000x128xf32> to vector<1000x64xf32>
    %swap3A_121 = arith.constant 1 : index
    %swap3A_122 = arith.constant 4 : index
    %swap3A_123 = arith.constant 0 : index
    %swap3A_124 = arith.constant 0 : index
    %swap3A_125 = vector.load %arg6[%swap3A_121, %swap3A_122, %swap3A_123, %swap3A_124] : memref<2x8x1000x64xf32, #tpu.memory_space<vmem>>, vector<1x1x1000x64xf32>
    %swap3A_126 = vector.shape_cast %swap3A_125 : vector<1x1x1000x64xf32> to vector<1000x64xf32>
    %swap3A_127 = vector.shape_cast %slice3A_120 : vector<1000x64xf32> to vector<1x1x1000x64xf32>
    tpu.vector_store %arg6[%swap3A_121, %swap3A_122, %swap3A_123, %swap3A_124], %swap3A_127 {strides = array<i32>} : memref<2x8x1000x64xf32, #tpu.memory_space<vmem>>, vector<1x1x1000x64xf32>,
    %get3A_128 = arith.constant 5 : index
    %get3A_129 = arith.constant 0 : index
    %get3A_130 = arith.constant 0 : index
    %get3A_131 = vector.load %arg4[%get3A_128, %get3A_129, %get3A_130] : memref<8x128x128xf32, #tpu.memory_space<vmem>>, vector<1x128x128xf32>
    %get3A_132 = vector.shape_cast %get3A_131 : vector<1x128x128xf32> to vector<128x128xf32>
    %dot_general3A_133 = arith.constant dense<0.000000e+00> : vector<1000x128xf32>
    %dot_general3A_134 = tpu.matmul %max3A_11, %get3A_132, %dot_general3A_133 {dimension_numbers = #tpu.dot_dimension_numbers<[1], [0], [0], [1], [0, 0, 1, 1], [], []>, transpose_lhs_hint = false} : vector<1000x128xf32>, vector<128x128xf32>, vector<1000x128xf32> -> vector<1000x128xf32>
    %slice3A_135 = vector.extract_strided_slice %dot_general3A_134 {offsets = [0, 0], sizes = [1000, 64], strides = [1, 1]} : vector<1000x128xf32> to vector<1000x64xf32>
    %swap3A_136 = arith.constant 0 : index
    %swap3A_137 = arith.constant 5 : index
    %swap3A_138 = arith.constant 0 : index
    %swap3A_139 = arith.constant 0 : index
    %swap3A_140 = vector.load %arg6[%swap3A_136, %swap3A_137, %swap3A_138, %swap3A_139] : memref<2x8x1000x64xf32, #tpu.memory_space<vmem>>, vector<1x1x1000x64xf32>
    %swap3A_141 = vector.shape_cast %swap3A_140 : vector<1x1x1000x64xf32> to vector<1000x64xf32>
    %swap3A_142 = vector.shape_cast %slice3A_135 : vector<1000x64xf32> to vector<1x1x1000x64xf32>
    tpu.vector_store %arg6[%swap3A_136, %swap3A_137, %swap3A_138, %swap3A_139], %swap3A_142 {strides = array<i32>} : memref<2x8x1000x64xf32, #tpu.memory_space<vmem>>, vector<1x1x1000x64xf32>,
    %slice3A_143 = vector.extract_strided_slice %dot_general3A_134 {offsets = [0, 64], sizes = [1000, 64], strides = [1, 1]} : vector<1000x128xf32> to vector<1000x64xf32>
    %swap3A_144 = arith.constant 1 : index
    %swap3A_145 = arith.constant 5 : index
    %swap3A_146 = arith.constant 0 : index
    %swap3A_147 = arith.constant 0 : index
    %swap3A_148 = vector.load %arg6[%swap3A_144, %swap3A_145, %swap3A_146, %swap3A_147] : memref<2x8x1000x64xf32, #tpu.memory_space<vmem>>, vector<1x1x1000x64xf32>
    %swap3A_149 = vector.shape_cast %swap3A_148 : vector<1x1x1000x64xf32> to vector<1000x64xf32>
    %swap3A_150 = vector.shape_cast %slice3A_143 : vector<1000x64xf32> to vector<1x1x1000x64xf32>
    tpu.vector_store %arg6[%swap3A_144, %swap3A_145, %swap3A_146, %swap3A_147], %swap3A_150 {strides = array<i32>} : memref<2x8x1000x64xf32, #tpu.memory_space<vmem>>, vector<1x1x1000x64xf32>,
    %get3A_151 = arith.constant 6 : index
    %get3A_152 = arith.constant 0 : index
    %get3A_153 = arith.constant 0 : index
    %get3A_154 = vector.load %arg4[%get3A_151, %get3A_152, %get3A_153] : memref<8x128x128xf32, #tpu.memory_space<vmem>>, vector<1x128x128xf32>
    %get3A_155 = vector.shape_cast %get3A_154 : vector<1x128x128xf32> to vector<128x128xf32>
    %dot_general3A_156 = arith.constant dense<0.000000e+00> : vector<1000x128xf32>
    %dot_general3A_157 = tpu.matmul %max3A_11, %get3A_155, %dot_general3A_156 {dimension_numbers = #tpu.dot_dimension_numbers<[1], [0], [0], [1], [0, 0, 1, 1], [], []>, transpose_lhs_hint = false} : vector<1000x128xf32>, vector<128x128xf32>, vector<1000x128xf32> -> vector<1000x128xf32>
    %slice3A_158 = vector.extract_strided_slice %dot_general3A_157 {offsets = [0, 0], sizes = [1000, 64], strides = [1, 1]} : vector<1000x128xf32> to vector<1000x64xf32>
    %swap3A_159 = arith.constant 0 : index
    %swap3A_160 = arith.constant 6 : index
    %swap3A_161 = arith.constant 0 : index
    %swap3A_162 = arith.constant 0 : index
    %swap3A_163 = vector.load %arg6[%swap3A_159, %swap3A_160, %swap3A_161, %swap3A_162] : memref<2x8x1000x64xf32, #tpu.memory_space<vmem>>, vector<1x1x1000x64xf32>
    %swap3A_164 = vector.shape_cast %swap3A_163 : vector<1x1x1000x64xf32> to vector<1000x64xf32>
    %swap3A_165 = vector.shape_cast %slice3A_158 : vector<1000x64xf32> to vector<1x1x1000x64xf32>
    tpu.vector_store %arg6[%swap3A_159, %swap3A_160, %swap3A_161, %swap3A_162], %swap3A_165 {strides = array<i32>} : memref<2x8x1000x64xf32, #tpu.memory_space<vmem>>, vector<1x1x1000x64xf32>,
    %slice3A_166 = vector.extract_strided_slice %dot_general3A_157 {offsets = [0, 64], sizes = [1000, 64], strides = [1, 1]} : vector<1000x128xf32> to vector<1000x64xf32>
    %swap3A_167 = arith.constant 1 : index
    %swap3A_168 = arith.constant 6 : index
    %swap3A_169 = arith.constant 0 : index
    %swap3A_170 = arith.constant 0 : index
    %swap3A_171 = vector.load %arg6[%swap3A_167, %swap3A_168, %swap3A_169, %swap3A_170] : memref<2x8x1000x64xf32, #tpu.memory_space<vmem>>, vector<1x1x1000x64xf32>
    %swap3A_172 = vector.shape_cast %swap3A_171 : vector<1x1x1000x64xf32> to vector<1000x64xf32>
    %swap3A_173 = vector.shape_cast %slice3A_166 : vector<1000x64xf32> to vector<1x1x1000x64xf32>
    tpu.vector_store %arg6[%swap3A_167, %swap3A_168, %swap3A_169, %swap3A_170], %swap3A_173 {strides = array<i32>} : memref<2x8x1000x64xf32, #tpu.memory_space<vmem>>, vector<1x1x1000x64xf32>,
    %get3A_174 = arith.constant 7 : index
    %get3A_175 = arith.constant 0 : index
    %get3A_176 = arith.constant 0 : index
    %get3A_177 = vector.load %arg4[%get3A_174, %get3A_175, %get3A_176] : memref<8x128x128xf32, #tpu.memory_space<vmem>>, vector<1x128x128xf32>
    %get3A_178 = vector.shape_cast %get3A_177 : vector<1x128x128xf32> to vector<128x128xf32>
    %dot_general3A_179 = arith.constant dense<0.000000e+00> : vector<1000x128xf32>
    %dot_general3A_180 = tpu.matmul %max3A_11, %get3A_178, %dot_general3A_179 {dimension_numbers = #tpu.dot_dimension_numbers<[1], [0], [0], [1], [0, 0, 1, 1], [], []>, transpose_lhs_hint = false} : vector<1000x128xf32>, vector<128x128xf32>, vector<1000x128xf32> -> vector<1000x128xf32>
    %slice3A_181 = vector.extract_strided_slice %dot_general3A_180 {offsets = [0, 0], sizes = [1000, 64], strides = [1, 1]} : vector<1000x128xf32> to vector<1000x64xf32>
    %swap3A_182 = arith.constant 0 : index
    %swap3A_183 = arith.constant 7 : index
    %swap3A_184 = arith.constant 0 : index
    %swap3A_185 = arith.constant 0 : index
    %swap3A_186 = vector.load %arg6[%swap3A_182, %swap3A_183, %swap3A_184, %swap3A_185] : memref<2x8x1000x64xf32, #tpu.memory_space<vmem>>, vector<1x1x1000x64xf32>
    %swap3A_187 = vector.shape_cast %swap3A_186 : vector<1x1x1000x64xf32> to vector<1000x64xf32>
    %swap3A_188 = vector.shape_cast %slice3A_181 : vector<1000x64xf32> to vector<1x1x1000x64xf32>
    tpu.vector_store %arg6[%swap3A_182, %swap3A_183, %swap3A_184, %swap3A_185], %swap3A_188 {strides = array<i32>} : memref<2x8x1000x64xf32, #tpu.memory_space<vmem>>, vector<1x1x1000x64xf32>,
    %slice3A_189 = vector.extract_strided_slice %dot_general3A_180 {offsets = [0, 64], sizes = [1000, 64], strides = [1, 1]} : vector<1000x128xf32> to vector<1000x64xf32>
    %swap3A_190 = arith.constant 1 : index
    %swap3A_191 = arith.constant 7 : index
    %swap3A_192 = arith.constant 0 : index
    %swap3A_193 = arith.constant 0 : index
    %swap3A_194 = vector.load %arg6[%swap3A_190, %swap3A_191, %swap3A_192, %swap3A_193] : memref<2x8x1000x64xf32, #tpu.memory_space<vmem>>, vector<1x1x1000x64xf32>
    %swap3A_195 = vector.shape_cast %swap3A_194 : vector<1x1x1000x64xf32> to vector<1000x64xf32>
    %swap3A_196 = vector.shape_cast %slice3A_189 : vector<1000x64xf32> to vector<1x1x1000x64xf32>
    tpu.vector_store %arg6[%swap3A_190, %swap3A_191, %swap3A_192, %swap3A_193], %swap3A_196 {strides = array<i32>} : memref<2x8x1000x64xf32, #tpu.memory_space<vmem>>, vector<1x1x1000x64xf32>,
    return
  }
  func.func @transform_0(%arg0: i32) -> (i32, i32) {
    %c0_i32 = arith.constant 0 : i32
    %c0_i32_0 = arith.constant 0 : i32
    return %arg0, %c0_i32 : i32, i32
  }
  func.func @transform_1(%arg0: i32) -> (i32, i32) {
    %c0_i32 = arith.constant 0 : i32
    %c0_i32_0 = arith.constant 0 : i32
    %c0_i32_1 = arith.constant 0 : i32
    return %c0_i32, %c0_i32_0 : i32, i32
  }
  func.func @transform_2(%arg0: i32) -> (i32, i32) {
    %c0_i32 = arith.constant 0 : i32
    %c0_i32_0 = arith.constant 0 : i32
    %c0_i32_1 = arith.constant 0 : i32
    return %c0_i32, %c0_i32_0 : i32, i32
  }
  func.func @transform_3(%arg0: i32) -> (i32, i32, i32) {
    %c0_i32 = arith.constant 0 : i32
    %c0_i32_0 = arith.constant 0 : i32
    %c0_i32_1 = arith.constant 0 : i32
    %c0_i32_2 = arith.constant 0 : i32
    return %c0_i32, %c0_i32_0, %c0_i32_1 : i32, i32, i32
  }
  func.func @transform_4(%arg0: i32) -> (i32, i32) {
    %c0_i32 = arith.constant 0 : i32
    %c0_i32_0 = arith.constant 0 : i32
    return %arg0, %c0_i32 : i32, i32
  }
  func.func @transform_5(%arg0: i32) -> (i32, i32, i32, i32) {
    %c0_i32 = arith.constant 0 : i32
    %c0_i32_0 = arith.constant 0 : i32
    %c0_i32_1 = arith.constant 0 : i32
    %c0_i32_2 = arith.constant 0 : i32
    return %c0_i32, %c0_i32_0, %arg0, %c0_i32_1 : i32, i32, i32, i32
  }
}

module attributes {stable_mosaic.version = 14 : i64} {
  func.func @body(%arg0: memref<625x512xi32, #tpu.memory_space<vmem>>, %arg1: memref<625x512xi32, #tpu.memory_space<vmem>>, %arg2: memref<625x512xi32, #tpu.memory_space<vmem>>, %arg3: memref<640x512xi32, #tpu.memory_space<vmem>>, %arg4: memref<640x512xi32, #tpu.memory_space<vmem>>) attributes {dimension_semantics = [], scalar_prefetch = 0 : i64, scratch_operands = 0 : i64, tpu.core_type = #tpu.core_type<tc>} {
    %get3A = arith.constant 0 : index
    %get3A_0 = arith.constant 0 : index
    %get3A_1 = vector.load %arg2[%get3A, %get3A_0] : memref<625x512xi32, #tpu.memory_space<vmem>>, vector<625x512xi32>
    %mul3A = arith.constant 10000 : i32
    %mul3A_2 = vector.broadcast %mul3A : i32 to vector<625x512xi32>
    %mul3A_3 = arith.muli %get3A_1, %mul3A_2 : vector<625x512xi32>
    %get3A_4 = arith.constant 0 : index
    %get3A_5 = arith.constant 0 : index
    %get3A_6 = vector.load %arg0[%get3A_4, %get3A_5] : memref<625x512xi32, #tpu.memory_space<vmem>>, vector<625x512xi32>
    %add3A = arith.addi %mul3A_3, %get3A_6 : vector<625x512xi32>
    %swap3A = arith.constant 0 : index
    %swap3A_7 = arith.constant 0 : index
    %swap3A_8 = vector.load %arg3[%swap3A, %swap3A_7] : memref<640x512xi32, #tpu.memory_space<vmem>>, vector<625x512xi32>
    tpu.vector_store %arg3[%swap3A, %swap3A_7], %add3A {strides = array<i32>} : memref<640x512xi32, #tpu.memory_space<vmem>>, vector<625x512xi32>,
    %get3A_9 = arith.constant 0 : index
    %get3A_10 = arith.constant 0 : index
    %get3A_11 = vector.load %arg1[%get3A_9, %get3A_10] : memref<625x512xi32, #tpu.memory_space<vmem>>, vector<625x512xi32>
    %swap3A_12 = arith.constant 0 : index
    %swap3A_13 = arith.constant 0 : index
    %swap3A_14 = vector.load %arg4[%swap3A_12, %swap3A_13] : memref<640x512xi32, #tpu.memory_space<vmem>>, vector<625x512xi32>
    tpu.vector_store %arg4[%swap3A_12, %swap3A_13], %get3A_11 {strides = array<i32>} : memref<640x512xi32, #tpu.memory_space<vmem>>, vector<625x512xi32>,
    %broadcast_in_dim3A = arith.constant 0 : i32
    %broadcast_in_dim3A_15 = vector.broadcast %broadcast_in_dim3A : i32 to vector<15x512xi32>
    %swap3A_16 = arith.constant 625 : index
    %swap3A_17 = arith.constant 0 : index
    %swap3A_18 = vector.load %arg3[%swap3A_16, %swap3A_17] : memref<640x512xi32, #tpu.memory_space<vmem>>, vector<15x512xi32>
    tpu.vector_store %arg3[%swap3A_16, %swap3A_17], %broadcast_in_dim3A_15 {strides = array<i32>} : memref<640x512xi32, #tpu.memory_space<vmem>>, vector<15x512xi32>,
    %broadcast_in_dim3A_19 = arith.constant 10015 : i32
    %broadcast_in_dim3A_20 = vector.broadcast %broadcast_in_dim3A_19 : i32 to vector<15x512xi32>
    %swap3A_21 = arith.constant 625 : index
    %swap3A_22 = arith.constant 0 : index
    %swap3A_23 = vector.load %arg4[%swap3A_21, %swap3A_22] : memref<640x512xi32, #tpu.memory_space<vmem>>, vector<15x512xi32>
    tpu.vector_store %arg4[%swap3A_21, %swap3A_22], %broadcast_in_dim3A_20 {strides = array<i32>} : memref<640x512xi32, #tpu.memory_space<vmem>>, vector<15x512xi32>,
    return
  }
}

module attributes {stable_mosaic.version = 14 : i64} {
  func.func @_final_body(%arg0: i32, %arg1: memref<1000x128xf32, #tpu.memory_space<vmem>>, %arg2: memref<1x1000x64xf32, #tpu.memory_space<vmem>>, %arg3: memref<1x1000x64xf32, #tpu.memory_space<vmem>>, %arg4: memref<128x128xf32, #tpu.memory_space<vmem>>, %arg5: memref<1x128xf32, #tpu.memory_space<vmem>>, %arg6: memref<1000x128xf32, #tpu.memory_space<vmem>>) attributes {dimension_semantics = [#tpu.dimension_semantics<arbitrary>], iteration_bounds = array<i64: 10>, scalar_prefetch = 0 : i64, scratch_operands = 0 : i64, tpu.core_type = #tpu.core_type<tc>, window_params = [{transform_indices = @transform_0, window_bounds = array<i64: 1000, 128>}, {transform_indices = @transform_1, window_bounds = array<i64: 1, 1000, 64>}, {transform_indices = @transform_2, window_bounds = array<i64: 1, 1000, 64>}, {pipeline_mode = #tpu.pipeline_mode<synchronous>, transform_indices = @transform_3, window_bounds = array<i64: 128, 128>}, {pipeline_mode = #tpu.pipeline_mode<synchronous>, transform_indices = @transform_4, window_bounds = array<i64: 1, 128>}, {transform_indices = @transform_5, window_bounds = array<i64: 1000, 128>}]} {
    %get3A = arith.constant 0 : index
    %get3A_0 = arith.constant 0 : index
    %get3A_1 = vector.load %arg1[%get3A, %get3A_0] : memref<1000x128xf32, #tpu.memory_space<vmem>>, vector<1000x128xf32>
    %get3A_2 = arith.constant 0 : index
    %get3A_3 = arith.constant 0 : index
    %get3A_4 = arith.constant 0 : index
    %get3A_5 = vector.load %arg2[%get3A_2, %get3A_3, %get3A_4] : memref<1x1000x64xf32, #tpu.memory_space<vmem>>, vector<1x1000x64xf32>
    %get3A_6 = vector.shape_cast %get3A_5 : vector<1x1000x64xf32> to vector<1000x64xf32>
    %get3A_7 = arith.constant 0 : index
    %get3A_8 = arith.constant 0 : index
    %get3A_9 = arith.constant 0 : index
    %get3A_10 = vector.load %arg3[%get3A_7, %get3A_8, %get3A_9] : memref<1x1000x64xf32, #tpu.memory_space<vmem>>, vector<1x1000x64xf32>
    %get3A_11 = vector.shape_cast %get3A_10 : vector<1x1000x64xf32> to vector<1000x64xf32>
    %concatenate3A = tpu.concatenate %get3A_6, %get3A_11 in 1 : vector<1000x64xf32>, vector<1000x64xf32> -> vector<1000x128xf32>
    %get3A_12 = arith.constant 0 : index
    %get3A_13 = arith.constant 0 : index
    %get3A_14 = vector.load %arg4[%get3A_12, %get3A_13] : memref<128x128xf32, #tpu.memory_space<vmem>>, vector<128x128xf32>
    %dot_general3A = arith.constant dense<0.000000e+00> : vector<1000x128xf32>
    %dot_general3A_15 = tpu.matmul %get3A_1, %get3A_14, %dot_general3A {dimension_numbers = #tpu.dot_dimension_numbers<[1], [0], [0], [1], [0, 0, 1, 1], [], []>, transpose_lhs_hint = false} : vector<1000x128xf32>, vector<128x128xf32>, vector<1000x128xf32> -> vector<1000x128xf32>
    %add3A = arith.addf %concatenate3A, %dot_general3A_15 : vector<1000x128xf32>
    %get3A_16 = arith.constant 0 : index
    %get3A_17 = arith.constant 0 : index
    %get3A_18 = vector.load %arg5[%get3A_16, %get3A_17] : memref<1x128xf32, #tpu.memory_space<vmem>>, vector<1x128xf32>
    %add3A_19 = vector.broadcast %get3A_18 : vector<1x128xf32> to vector<1000x128xf32>
    %add3A_20 = arith.addf %add3A, %add3A_19 : vector<1000x128xf32>
    %max3A = arith.constant 0.000000e+00 : f32
    %max3A_21 = vector.broadcast %max3A : f32 to vector<1000x128xf32>
    %max3A_22 = arith.maximumf %add3A_20, %max3A_21 : vector<1000x128xf32>
    %add3A_23 = arith.addf %get3A_1, %max3A_22 : vector<1000x128xf32>
    %swap3A = arith.constant 0 : index
    %swap3A_24 = arith.constant 0 : index
    %swap3A_25 = vector.load %arg6[%swap3A, %swap3A_24] : memref<1000x128xf32, #tpu.memory_space<vmem>>, vector<1000x128xf32>
    tpu.vector_store %arg6[%swap3A, %swap3A_24], %add3A_23 {strides = array<i32>} : memref<1000x128xf32, #tpu.memory_space<vmem>>, vector<1000x128xf32>,
    return
  }
  func.func @transform_0(%arg0: i32) -> (i32, i32) {
    %c0_i32 = arith.constant 0 : i32
    %c0_i32_0 = arith.constant 0 : i32
    return %arg0, %c0_i32 : i32, i32
  }
  func.func @transform_1(%arg0: i32) -> (i32, i32, i32) {
    %c0_i32 = arith.constant 0 : i32
    %c0_i32_0 = arith.constant 0 : i32
    %c0_i32_1 = arith.constant 0 : i32
    return %c0_i32, %arg0, %c0_i32_0 : i32, i32, i32
  }
  func.func @transform_2(%arg0: i32) -> (i32, i32, i32) {
    %c1_i32 = arith.constant 1 : i32
    %c0_i32 = arith.constant 0 : i32
    %c0_i32_0 = arith.constant 0 : i32
    return %c1_i32, %arg0, %c0_i32 : i32, i32, i32
  }
  func.func @transform_3(%arg0: i32) -> (i32, i32) {
    %c0_i32 = arith.constant 0 : i32
    %c0_i32_0 = arith.constant 0 : i32
    %c0_i32_1 = arith.constant 0 : i32
    return %c0_i32, %c0_i32_0 : i32, i32
  }
  func.func @transform_4(%arg0: i32) -> (i32, i32) {
    %c0_i32 = arith.constant 0 : i32
    %c0_i32_0 = arith.constant 0 : i32
    %c0_i32_1 = arith.constant 0 : i32
    return %c0_i32, %c0_i32_0 : i32, i32
  }
  func.func @transform_5(%arg0: i32) -> (i32, i32) {
    %c0_i32 = arith.constant 0 : i32
    %c0_i32_0 = arith.constant 0 : i32
    return %arg0, %c0_i32 : i32, i32
  }
}

</mosaic_0001>

<sc_bundles>
// kernel: kernel.6.cloned.1.call-start
scs
__scs_entry_jumppad:
0x0: {  	(pc) =	sbr.rel $0x88, $3  }
0x1: {  	(tag) =	ssettag $0x0;
	lr =	simm.s32 $0x1  }
0x2: {  	[smem:$0x3F99] =	sst lr;
	_ =	strace $0xD0000000  }
0x3: {  	_ = 	snop  }
0x4: {  	_ = 	snop  }
0x5: {  	_ = 	snop  }
0x6: {  	_ = 	snop  }
0x7: {  	_ = 	snop  }
__scs_overlays_trampoline_lowered:
0x8: {  	[smem:$0x3FA8] =	sst s0  }
0x9: {  	[smem:$0x3FA9] =	sst s1  }
0xa: {  	[smem:$0x3FAA] =	sst s2  }
0xb: {  	[smem:$0x3FAB] =	sst s3  }
0xc: {  	[smem:$0x3FAC] =	sst s4  }
0xd: {  	[smem:$0x3FAD] =	sst s5  }
0xe: {  	[smem:$0x3FAE] =	sst s6  }
0xf: {  	[smem:$0x3FAF] =	sst s7  }
0x10: {  	[smem:$0x3FB0] =	sst s8  }
0x11: {  	[smem:$0x3FB1] =	sst s9;
	s0 =	simm.s32 @!p0 $0x0  }
0x12: {  	s1 =	sld [smem:$0x3F97];
	s0 =	simm.s32 @p0 $0x1  }
0x13: {  	[smem:$0x3FB2] =	sst s0;
	s0 =	simm.s32 @!p1 $0x0  }
0x14: {  	s2 =	sld [smem:$0x3F96];
	s0 =	simm.s32 @p1 $0x1  }
0x15: {  	[smem:$0x3FB3] =	sst s0;
	s0 =	simm.s32 @!p2 $0x0  }
0x16: {  	s3 =	sld [smem:$0x3FDB];
	s0 =	simm.s32 @p2 $0x1  }
0x17: {  	s4 =	simm.s32 $0x1BF5;
	[smem:$0x3FB5] =	sst s0  }
0x18: {  	s0 =	sld [smem:$0x3F98];
	_ =	swait.ge [sflag:s4], $0x0  }
0x19: {  	s7 =	sld [smem:$0x3F99]  }
0x1a: {  	s8 =	sadd.s32 $0xFFFFE003, lr  }
0x1b: {  	s9 =	sadd.s32 $0xFFFFFEF7, lr;
	s5 =	simm.s32 $0xFFFFFFFF;
	p2 =	slt.u32 s8, $0xFFFFF086  }
0x1c: {  	p1 =	slt.u32 s9, $0xF7A;
	s5 =	simm.s32 @!p2 $0x0  }
0x1d: {  	s5 =	simm.s32 @p1 $0x1;
	p0 =	seq.s32 s7, s2  }
0x1e: {  	s7 =	smul.u32 @!p0 $0xF7A, s2;
	p2 =	seq.s32 @!p0 s5, $0x0  }
0x1f: {  	s9 =	smul.u32 $0xF7A, s1;
	s8 =	simm.s32 @!p0 $0x1BF5;
	p2 =	por !p2, p0  }
0x20: {  	[sflag:s8] =	ssyncset.s32 @!p0 $0xFFFFF086;
	s6 =	sadd.s32 @!p0 s3, s7;
	s7 =	simm.s32 @!p0 $0x108  }
0x21: {  	s3 =	sadd.s32 s3, s9;
	s6 =	sadd.s32 @!p0 $0x88, s6;
	s7 =	simm.s32 @p2 $0x1082  }
0x22: {  	[simem:s7], [sflag:s8] =	dma.local @!p0 [hbm:s6], $0xF7A  }
0x23: {  	s9 =	sor.u32 $0xD0000000, s2;
	s6 =	simm.s32 $0x108;
	_ =	swait.ge @!p0 [sflag:s8], $0x0  }
0x24: {  	s3 =	sadd.s32 $0x88, s3;
	s6 =	simm.s32 @!p1 $0x1082;
	[sflag:s4] =	ssyncset.s32 $0xFFFFF086  }
0x25: {  	[simem:s6], [sflag:s4] =	dma.local [hbm:s3], $0xF7A  }
0x26: {  	[smem:$0x3F99] =	sst s1;
	(tag) =	ssettag s2;
	_ =	strace s9  }
0x27: {  	s1 =	sld [smem:$0x3FA9]  }
0x28: {  	s2 =	sld [smem:$0x3FAA]  }
0x29: {  	s4 =	sld [smem:$0x3FAC]  }
0x2a: {  	p0 =	seq.s32 s5, $0x0;
	s5 =	sld [smem:$0x3FAD]  }
0x2b: {  	s6 =	sld [smem:$0x3FAE]  }
0x2c: {  	s7 =	sld [smem:$0x3FAF]  }
0x2d: {  	s3 =	simm.s32 $0x108;
	s8 =	sld [smem:$0x3FB0]  }
0x2e: {  	s3 =	simm.s32 @!p0 $0x1082;
	s9 =	sld [smem:$0x3FB1]  }
0x2f: {  	lr =	sadd.s32 s0, s3;
	s0 =	sld [smem:$0x3FA8]  }
0x30: {  	s3 =	sld [smem:$0x3FAB]  }
0x31: {  	[smem:$0x3FB4] =	sst s10  }
0x32: {  	s10 =	sld [smem:$0x3FB2];
	_ =	sdelay $0x3  }
0x33: {  	p0 =	seq.s32 s10, $0x1;
	s10 =	sld [smem:$0x3FB4];
	_ =	sdelay $0x3  }
0x34: {  	[smem:$0x3FB4] =	sst s10  }
0x35: {  	s10 =	sld [smem:$0x3FB3];
	_ =	sdelay $0x3  }
0x36: {  	p1 =	seq.s32 s10, $0x1;
	s10 =	sld [smem:$0x3FB4];
	_ =	sdelay $0x3  }
0x37: {  	[smem:$0x3FB4] =	sst s10  }
0x38: {  	s10 =	sld [smem:$0x3FB5]  }
0x39: {  	_ = 	snop;
	(pc) =	sbr.ind lr, $3  }
0x3a: {  	_ = 	snop  }
0x3b: {  	_ = 	snop  }
0x3c: {  	p2 =	seq.s32 s10, $0x1;
	s10 =	sld [smem:$0x3FB4]  }
0x3d: {  	_ =	shalt  }
0x3e: {  	_ =	shalt  }
0x3f: {  	_ =	shalt  }
0x40: {  	_ =	shalt  }
0x41: {  	_ =	shalt  }
0x42: {  	_ =	shalt  }
0x43: {  	_ =	shalt  }
0x44: {  	_ =	shalt  }
0x45: {  	_ =	shalt  }
0x46: {  	_ =	shalt  }
0x47: {  	_ =	shalt  }
0x48: {  	_ =	shalt  }
0x49: {  	_ =	shalt  }
0x4a: {  	_ =	shalt  }
0x4b: {  	_ =	shalt  }
0x4c: {  	_ =	shalt  }
0x4d: {  	_ =	shalt  }
0x4e: {  	_ =	shalt  }
0x4f: {  	_ =	shalt  }
0x50: {  	_ =	shalt  }
0x51: {  	_ =	shalt  }
0x52: {  	_ =	shalt  }
0x53: {  	_ =	shalt  }
0x54: {  	_ =	shalt  }
0x55: {  	_ =	shalt  }
0x56: {  	_ =	shalt  }
0x57: {  	_ =	shalt  }
0x58: {  	_ =	shalt  }
0x59: {  	_ =	shalt  }
0x5a: {  	_ =	shalt  }
0x5b: {  	_ =	shalt  }
0x5c: {  	_ =	shalt  }
0x5d: {  	_ =	shalt  }
0x5e: {  	_ =	shalt  }
0x5f: {  	_ =	shalt  }
0x60: {  	_ =	shalt  }
0x61: {  	_ =	shalt  }
0x62: {  	_ =	shalt  }
0x63: {  	_ =	shalt  }
0x64: {  	_ =	shalt  }
0x65: {  	_ =	shalt  }
0x66: {  	_ =	shalt  }
0x67: {  	_ =	shalt  }
0x68: {  	_ =	shalt  }
0x69: {  	_ =	shalt  }
0x6a: {  	_ =	shalt  }
0x6b: {  	_ =	shalt  }
0x6c: {  	_ =	shalt  }
0x6d: {  	_ =	shalt  }
0x6e: {  	_ =	shalt  }
0x6f: {  	_ =	shalt  }
0x70: {  	_ =	shalt  }
0x71: {  	_ =	shalt  }
0x72: {  	_ =	shalt  }
0x73: {  	_ =	shalt  }
0x74: {  	_ =	shalt  }
0x75: {  	_ =	shalt  }
0x76: {  	_ =	shalt  }
0x77: {  	_ =	shalt  }
0x78: {  	_ =	shalt  }
0x79: {  	_ =	shalt  }
0x7a: {  	_ =	shalt  }
0x7b: {  	_ =	shalt  }
0x7c: {  	_ =	shalt  }
0x7d: {  	_ =	shalt  }
0x7e: {  	_ =	shalt  }
0x7f: {  	_ =	shalt  }
0x80: {  	_ =	shalt  }
0x81: {  	_ =	shalt  }
0x82: {  	_ =	shalt  }
0x83: {  	_ =	shalt  }
0x84: {  	_ =	shalt  }
0x85: {  	_ =	shalt  }
0x86: {  	_ =	shalt  }
0x87: {  	_ =	shalt  }
.Lfunc_end0:
.L_simem_size_0:
called_computation_lowered:
.L_overlay_start_0:
0x88: {  	s2 =	sld [smem:$0x3FD9]  }
0x89: {  	s3 =	sld [smem:$0x3FFE];
	_ =	sdelay $0x1  }
0x8a: {  	s1 =	srdreg.scid  }
0x8b: {  	s0 =	sand.u32 $0x1, s1  }
0x8c: {  	s17 =	sshll.u32 s0, $0xA;
	s2 =	sadd.s32 s3, s2  }
0x8d: {  	s2 =	sadd.s32 s2, s17  }
0x8e: {  	[smem:$0x3FC0] =	sst s2  }
0x8f: {  	_ = 	snop  }
0x90: {  	s2 =	sld [smem:$0x3FD0];
	(tm) =	ssettm $0x1  }
0x91: {  	s18 =	sld [smem:$0x3FFB];
	_ =	sdelay $0x3  }
0x92: {  	_ =	strace s18  }
0x93: {  	s3 =	sld [smem:$0x3FFC];
	_ =	sdelay $0x3  }
0x94: {  	_ =	strace s3  }
0x95: {  	s3 =	sld [smem:$0x3FFD];
	_ =	sdelay $0x3  }
0x96: {  	_ =	strace s3  }
0x97: {  	_ =	strace $0x8FFFFFFF  }
0x98: {  	s19 =	sld [smem:$0x3FDB];
	_ =	sdelay $0x1  }
0x99: {  	s4 =	simm.s32 $_scs_section_size  }
0x9a: {  	s5 =	simm.s32 $_size__tile_overlayer_lowered;
	s6 =	simm.s32 $_tile_overlayer_lowered  }
0x9b: {  	s22 =	simm.s32 $0x1BFF;
	s21 =	sshll.u32 s6, $0x1;
	s3 =	sadd.s32 s4, s19  }
0x9c: {  	s7 =	simm.s32 $0x0;
	s20 =	sshll.u32 s5, $0x1;
	s5 =	sadd.s32 s21, s3  }
0x9d: {  	[timem:s7], [sflag:s22] =	dma.local [hbm:s5], s20  }
0x9e: {  	_ =	swait.ge [sflag:s22], s20  }
0x9f: {  	s4 =	ssub.s32 $0x0, s20;
	[sflag:s22] =	ssyncset.done $0x0  }
0xa0: {  	[sflag:s22] =	ssyncadd.s32 s4;
	_ =	sdelay $0x1  }
0xa1: {  	s23 =	simm.s32 $0x1B8B  }
0xa2: {  	_ =	swait.ge [sflag:s23], $0x1  }
0xa3: {  	[sflag:s23] =	ssyncset.done $0x0  }
0xa4: {  	s25 =	simm.s32 $0x1B8E;
	s24 =	sld [smem:$0x3FFE];
	[sflag:s23] =	ssyncadd.s32 $0xFFFFFFFF  }
0xa5: {  	s26 =	simm.s32 $execute0_lowered;
	[smem:$0x3FD2] =	sst s25  }
0xa6: {  	s5 =	sshll.u32 s26, $0x1;
	_ =	strace $0x80000046;
	[dreg:$0x1] =	wrdreg $0xFFFFFFFF  }
0xa7: {  	s28 =	simm.s32 $_size_execute0_lowered;
	s3 =	sadd.s32 s3, s5;
	[dreg:$0x0] =	wrdreg $0x0  }
0xa8: {  	s5 =	sshll.u32 s28, $0x1;
	[dreg:$0x2] =	wrdreg s3  }
0xa9: {  	[dreg:$0x3] =	wrdreg s5  }
0xaa: {  	[dreg:$0x4] =	wrdreg $0xC0  }
0xab: {  	_ =	task [dreg:s7], $0x5FFFF  }
0xac: {  	[dreg:$0x1] =	wrdreg $0xFFFFFFFF  }
0xad: {  	[dreg:$0x0] =	wrdreg $0x60  }
0xae: {  	[dreg:$0x2] =	wrdreg s24  }
0xaf: {  	[dreg:$0x3] =	wrdreg s2  }
0xb0: {  	[dreg:$0x4] =	wrdreg $0x120000  }
0xb1: {  	[dreg:$0x5] =	wrdreg $0x9  }
0xb2: {  	_ =	task.clear_ibuf [dreg:s7], $0x6FFFF;
	_ =	strace $0x90000046  }
0xb3: {  	s29 =	simm.s32 $0x9;
	_ =	strace $0x80000048  }
0xb4: {  	_ =	swait.ge [sflag:s29], $0x1  }
0xb5: {  	[sflag:s29] =	ssyncadd.s32 $0xFFFFFFFF  }
0xb6: {  	_ =	strace $0x90000048  }
0xb7: {  	_ =	sfence  }
0xb8: {  	s30 =	sld [smem:$0x0];
	_ =	sdelay $0x2  }
0xb9: {  	s31 =	sshll.u32 s1, $0xD;
	s1 =	sshrl.u32 s1, $0x2  }
0xba: {  	s3 =	sand.u32 $0x4000, s31;
	s1 =	sadd.s32 s1, s30  }
0xbb: {  	s0 =	sor.u32 s3, s0;
	s1 =	sshll.u32 s1, $0x11  }
0xbc: {  	s0 =	sor.u32 s1, s0  }
0xbd: {  	s0 =	sadd.s32 $0x8F2B, s0  }
0xbe: {  	[sflag:s0] =	ssyncadd.remote.s32 $0x1  }
0xbf: {  	_ =	sfence.sel $0xFFFF  }
0xc0: {  	[dreg:$0x0] =	wrdreg $0xFFFFFFFF;
	(pc) =	sbr.abs _section_cstart, $3  }
0xc1: {  	[dreg:$0x1] =	wrdreg $0xFFFFFFFF  }
0xc2: {  	_ =	task.clear_ibuf [dreg:s7], $0x2FFFF;
	_ =	strace $0x9FFFFFFF  }
0xc3: {  	(tm) =	ssettm $0x7FFFFFFF  }
tec
execute0_lowered:
.L_overlay_start_1:
0x0: {  	(tag) =	ssettag $0x1  }
0x1: {  	s0 =	rddreg [dreg:$0x0]  }
0x2: {  	s5 =	rddreg [dreg:$0x1]  }
0x3: {  	s1 =	srdreg.scid;
	s2 =	rddreg [dreg:$0x2]  }
0x4: {  	s24 =	stileid.u32;
	s3 =	simm.s32 $0x0;
	s14 =	simm.s32 $0x80  }
0x5: {  	s15 =	simm.s32 $0xA000;
	s16 =	simm.s32 $0xC000;
	s17 =	simm.s32 $0x100  }
0x6: {  	s18 =	simm.s32 $0xE000;
	s19 =	simm.s32 $0x180;
	s20 =	simm.s32 $0x10000  }
0x7: {  	s21 =	simm.s32 $0x1;
	s22 =	simm.s32 $0x2;
	s23 =	simm.s32 $0x3  }
0x8: {  	s28 =	simm.s32 $0x9F00;
	s29 =	simm.s32 $0x9F80;
	s7 =	smul.u32 $0x9C80, s24  }
0x9: {  	s30 =	simm.s32 $0x0;
	s4 =	sand.u32 $0x1, s1;
	s9 =	smul.u32 $0xA00, s24  }
0xa: {  	[smem:$0x7FF] =	sst s3;
	s31 =	sshll.u32 s24, $0x6;
	s6 =	smul.u32 $0x9C400, s4  }
0xb: {  	s24 =	simm.s32 $0x4;
	s8 =	smul.u32 $0x9C800, s4;
	_ =	strace $0x80000047  }
0xc: {  	s26 =	ssub.s32 $0x2, s4;
	s4 =	sadd.s32 $0xB000, s0;
	s11 =	sadd.s32 s9, s0  }
0xd: {  	s12 =	sshrl.u32 s26, $0x1;
	s5 =	sadd.s32 s5, s9;
	s13 =	sadd.s32 s7, s2  }
0xe: {  	s10 =	sadd.s32 s6, s0;
	s25 =	sadd.s32 s7, s8;
	s12 =	ssub.s32 s26, s12  }
0xf: {  	s13 =	sshrl.u32 s13, $0x3;
	s26 =	simm.s32 $0x9E80;
	s6 =	sshrl.u32 s25, $0x3  }
0x10: {  	s7 =	sadd.s32 $0x272000, s10;
	s9 =	smax.u32 s12, $0x1;
	s10 =	simm.s32 $0x5  }
0x11: {  	s12 =	sor.u32 $0x1C05, s31;
	s25 =	simm.s32 $0x9E00;
	s0 =	sadd.s32 s6, s0  }
0x12: {  	s6 =	sadd.s32 $0x1000, s11;
	s11 =	simm.s32 $0x5000;
	s8 =	sadd.s32 $0xC400, s0  }
.LBB2_1:
0x13: {  	[tilespmem:s3], [sflag:$0x5] =	stream.linear.gather [hbm4b:s5+s3], $0x5000, $0x38;
	[tilespmem:$0x1BC80] =	vst v63  }
0x14: {  	_ =	swait.ge [sflag:s10], $0x5000  }
0x15: {  	[sflag:s10] =	ssyncset.done $0x0  }
0x16: {  	[sflag:s10] =	ssyncadd.s32 $0xFFFFB000  }
0x17: {  	[tilespmem:s11], [sflag:$0x5] =	stream.linear.gather [hbm4b:s6+s3], $0x5000, $0x38;
	[tilespmem:$0x1BC80] =	vst v63  }
0x18: {  	_ =	swait.ge [sflag:s10], $0x5000  }
0x19: {  	[sflag:s10] =	ssyncset.done $0x0  }
0x1a: {  	[sflag:s10] =	ssyncadd.s32 $0xFFFFB000  }
0x1b: {  	[spmem:s13], [sflag:s12] =	dma.local [hbm:s4], $0x1390  }
0x1c: {  	_ =	swait.ge [sflag:s10], $0x1390  }
0x1d: {  	[sflag:s10] =	ssyncset.done $0x0  }
0x1e: {  	[sflag:s10] =	ssyncadd.s32 $0xFFFFEC70  }
0x1f: {  	[bflag:$0x0] =	sbarrier.arrive $0xFFFF  }
0x20: {  	[tilespmem:s15], [sflag:$0x1] =	stream.indirect.gather [hbm4b:s7+s14], $0x40, s3, s14, $0xb8;
	[tilespmem:$0x1BC80] =	vst v63  }
0x21: {  	_ = 	snop  }
0x22: {  	[tilespmem:s16], [sflag:$0x2] =	stream.indirect.gather [hbm4b:s7+s14], $0x40, s14, s14, $0xb8;
	[tilespmem:$0x1BC80] =	vst v63  }
0x23: {  	_ = 	snop  }
0x24: {  	[tilespmem:s18], [sflag:$0x3] =	stream.indirect.gather [hbm4b:s7+s14], $0x40, s17, s14, $0xb8;
	[tilespmem:$0x1BC80] =	vst v63  }
0x25: {  	_ = 	snop  }
0x26: {  	[tilespmem:s20], [sflag:$0x4] =	stream.indirect.gather [hbm4b:s7+s14], $0x40, s19, s14, $0xb8;
	[tilespmem:$0x1BC80] =	vst v63  }
0x27: {  	_ =	swait.ge [sflag:s21], $0x2000  }
0x28: {  	[sflag:s21] =	ssyncset.done $0x0  }
0x29: {  	s0 =	simm.s32 $0x5000;
	[sflag:s21] =	ssyncadd.s32 $0xFFFFE000  }
0x2a: {  	[spmem:s2] =	stream.indirect.scatter.add.f32 [tilespmem:s15], [sflag:$0x5], $0x40, s0, s14, $0xb8;
	[tilespmem:$0x1BC80] =	vst v63  }
0x2b: {  	_ =	swait.ge [sflag:s10], $0x2000  }
0x2c: {  	[sflag:s10] =	ssyncset.done $0x0  }
0x2d: {  	s1 =	simm.s32 $0x200;
	[sflag:s10] =	ssyncadd.s32 $0xFFFFE000  }
0x2e: {  	[tilespmem:s15], [sflag:$0x1] =	stream.indirect.gather [hbm4b:s7+s14], $0x40, s1, s14, $0xb8;
	[tilespmem:$0x1BC80] =	vst v63  }
0x2f: {  	_ =	swait.ge [sflag:s22], $0x2000  }
0x30: {  	[sflag:s22] =	ssyncset.done $0x0  }
0x31: {  	s1 =	simm.s32 $0x5080;
	[sflag:s22] =	ssyncadd.s32 $0xFFFFE000  }
0x32: {  	[spmem:s2] =	stream.indirect.scatter.add.f32 [tilespmem:s16], [sflag:$0x5], $0x40, s1, s14, $0xb8;
	[tilespmem:$0x1BC80] =	vst v63  }
0x33: {  	_ =	swait.ge [sflag:s10], $0x2000  }
0x34: {  	[sflag:s10] =	ssyncset.done $0x0  }
0x35: {  	s1 =	simm.s32 $0x280;
	[sflag:s10] =	ssyncadd.s32 $0xFFFFE000  }
0x36: {  	[tilespmem:s16], [sflag:$0x2] =	stream.indirect.gather [hbm4b:s7+s14], $0x40, s1, s14, $0xb8;
	[tilespmem:$0x1BC80] =	vst v63  }
0x37: {  	_ =	swait.ge [sflag:s23], $0x2000  }
0x38: {  	[sflag:s23] =	ssyncset.done $0x0  }
0x39: {  	s1 =	simm.s32 $0x5100;
	[sflag:s23] =	ssyncadd.s32 $0xFFFFE000  }
0x3a: {  	[spmem:s2] =	stream.indirect.scatter.add.f32 [tilespmem:s18], [sflag:$0x5], $0x40, s1, s14, $0xb8;
	[tilespmem:$0x1BC80] =	vst v63  }
0x3b: {  	_ =	swait.ge [sflag:s10], $0x2000  }
0x3c: {  	[sflag:s10] =	ssyncset.done $0x0  }
0x3d: {  	s1 =	simm.s32 $0x300;
	[sflag:s10] =	ssyncadd.s32 $0xFFFFE000  }
0x3e: {  	[tilespmem:s18], [sflag:$0x3] =	stream.indirect.gather [hbm4b:s7+s14], $0x40, s1, s14, $0xb8;
	[tilespmem:$0x1BC80] =	vst v63  }
0x3f: {  	_ =	swait.ge [sflag:s24], $0x2000  }
0x40: {  	[sflag:s24] =	ssyncset.done $0x0  }
0x41: {  	s1 =	simm.s32 $0x5180;
	[sflag:s24] =	ssyncadd.s32 $0xFFFFE000  }
0x42: {  	[spmem:s2] =	stream.indirect.scatter.add.f32 [tilespmem:s20], [sflag:$0x5], $0x40, s1, s14, $0xb8;
	[tilespmem:$0x1BC80] =	vst v63  }
0x43: {  	_ =	swait.ge [sflag:s10], $0x2000  }
0x44: {  	[sflag:s10] =	ssyncset.done $0x0  }
0x45: {  	s31 =	simm.s32 $0x800;
	s0 =	simm.s32 $0x380;
	[sflag:s10] =	ssyncadd.s32 $0xFFFFE000  }
.LBB2_2:
0x46: {  	[tilespmem:s20], [sflag:$0x4] =	stream.indirect.gather [hbm4b:s7+s14], $0x40, s0, s14, $0xb8;
	[tilespmem:$0x1BC80] =	vst v63  }
0x47: {  	s0 =	smov.u32 s31  }
0x48: {  	p0 =	sne.s32 s31, $0x13000;
	s31 =	sadd.s32 $0x800, s31;
	_ =	swait.ge [sflag:s21], $0x2000  }
0x49: {  	s0 =	sshra.s32 s0, $0x2;
	[sflag:s21] =	ssyncset.done $0x0  }
0x4a: {  	s1 =	sadd.s32 $0x5000, s0;
	[sflag:s21] =	ssyncadd.s32 $0xFFFFE000  }
0x4b: {  	[spmem:s2] =	stream.indirect.scatter.add.f32 [tilespmem:s15], [sflag:$0x5], $0x40, s1, s14, $0xb8;
	[tilespmem:$0x1BC80] =	vst v63  }
0x4c: {  	_ =	swait.ge [sflag:s10], $0x2000  }
0x4d: {  	[sflag:s10] =	ssyncset.done $0x0  }
0x4e: {  	s1 =	sadd.s32 $0x200, s0;
	[sflag:s10] =	ssyncadd.s32 $0xFFFFE000  }
0x4f: {  	[tilespmem:s15], [sflag:$0x1] =	stream.indirect.gather [hbm4b:s7+s14], $0x40, s1, s14, $0xb8;
	[tilespmem:$0x1BC80] =	vst v63  }
0x50: {  	_ =	swait.ge [sflag:s22], $0x2000  }
0x51: {  	[sflag:s22] =	ssyncset.done $0x0  }
0x52: {  	s1 =	sadd.s32 $0x5080, s0;
	[sflag:s22] =	ssyncadd.s32 $0xFFFFE000  }
0x53: {  	[spmem:s2] =	stream.indirect.scatter.add.f32 [tilespmem:s16], [sflag:$0x5], $0x40, s1, s14, $0xb8;
	[tilespmem:$0x1BC80] =	vst v63  }
0x54: {  	_ =	swait.ge [sflag:s10], $0x2000  }
0x55: {  	[sflag:s10] =	ssyncset.done $0x0  }
0x56: {  	s1 =	sadd.s32 $0x280, s0;
	[sflag:s10] =	ssyncadd.s32 $0xFFFFE000  }
0x57: {  	[tilespmem:s16], [sflag:$0x2] =	stream.indirect.gather [hbm4b:s7+s14], $0x40, s1, s14, $0xb8;
	[tilespmem:$0x1BC80] =	vst v63  }
0x58: {  	_ =	swait.ge [sflag:s23], $0x2000  }
0x59: {  	[sflag:s23] =	ssyncset.done $0x0  }
0x5a: {  	s1 =	sadd.s32 $0x5100, s0;
	[sflag:s23] =	ssyncadd.s32 $0xFFFFE000  }
0x5b: {  	[spmem:s2] =	stream.indirect.scatter.add.f32 [tilespmem:s18], [sflag:$0x5], $0x40, s1, s14, $0xb8;
	[tilespmem:$0x1BC80] =	vst v63  }
0x5c: {  	_ =	swait.ge [sflag:s10], $0x2000  }
0x5d: {  	[sflag:s10] =	ssyncset.done $0x0  }
0x5e: {  	s1 =	sadd.s32 $0x300, s0;
	[sflag:s10] =	ssyncadd.s32 $0xFFFFE000  }
0x5f: {  	[tilespmem:s18], [sflag:$0x3] =	stream.indirect.gather [hbm4b:s7+s14], $0x40, s1, s14, $0xb8;
	[tilespmem:$0x1BC80] =	vst v63  }
0x60: {  	_ =	swait.ge [sflag:s24], $0x2000  }
0x61: {  	[sflag:s24] =	ssyncset.done $0x0  }
.Ltmp0:
0x62: {  	s1 =	sadd.s32 $0x5180, s0;
	[sflag:s24] =	ssyncadd.s32 $0xFFFFE000;
	(pc) =	sbr.rel @p0 .LBB2_2-.Ltmp0, $4  }
0x63: {  	[spmem:s2] =	stream.indirect.scatter.add.f32 [tilespmem:s20], [sflag:$0x5], $0x40, s1, s14, $0xb8;
	[tilespmem:$0x1BC80] =	vst v63  }
0x64: {  	_ =	swait.ge [sflag:s10], $0x2000  }
0x65: {  	[sflag:s10] =	ssyncset.done $0x0  }
0x66: {  	s0 =	sadd.s32 $0x380, s0;
	[sflag:s10] =	ssyncadd.s32 $0xFFFFE000  }
0x67: {  	[tilespmem:s20], [sflag:$0x4] =	stream.indirect.gather [hbm4b:s7+s14], $0x40, s0, s14, $0xb8;
	[tilespmem:$0x1BC80] =	vst v63  }
0x68: {  	_ =	swait.ge [sflag:s21], $0x2000  }
0x69: {  	[sflag:s21] =	ssyncset.done $0x0  }
0x6a: {  	[sflag:s21] =	ssyncadd.s32 $0xFFFFE000  }
0x6b: {  	[spmem:s2] =	stream.indirect.scatter.add.f32 [tilespmem:s15], [sflag:$0x5], $0x40, s25, s14, $0xb8;
	[tilespmem:$0x1BC80] =	vst v63  }
0x6c: {  	_ =	swait.ge [sflag:s10], $0x2000  }
0x6d: {  	[sflag:s10] =	ssyncset.done $0x0  }
0x6e: {  	[sflag:s10] =	ssyncadd.s32 $0xFFFFE000  }
0x6f: {  	_ =	swait.ge [sflag:s22], $0x2000  }
0x70: {  	[sflag:s22] =	ssyncset.done $0x0  }
0x71: {  	[sflag:s22] =	ssyncadd.s32 $0xFFFFE000  }
0x72: {  	[spmem:s2] =	stream.indirect.scatter.add.f32 [tilespmem:s16], [sflag:$0x5], $0x40, s26, s14, $0xb8;
	[tilespmem:$0x1BC80] =	vst v63  }
0x73: {  	_ =	swait.ge [sflag:s10], $0x2000  }
0x74: {  	[sflag:s10] =	ssyncset.done $0x0  }
0x75: {  	[sflag:s10] =	ssyncadd.s32 $0xFFFFE000  }
0x76: {  	_ =	swait.ge [sflag:s23], $0x2000  }
0x77: {  	[sflag:s23] =	ssyncset.done $0x0  }
0x78: {  	[sflag:s23] =	ssyncadd.s32 $0xFFFFE000  }
0x79: {  	[spmem:s2] =	stream.indirect.scatter.add.f32 [tilespmem:s18], [sflag:$0x5], $0x40, s28, s14, $0xb8;
	[tilespmem:$0x1BC80] =	vst v63  }
0x7a: {  	_ =	swait.ge [sflag:s10], $0x2000  }
0x7b: {  	[sflag:s10] =	ssyncset.done $0x0  }
0x7c: {  	[sflag:s10] =	ssyncadd.s32 $0xFFFFE000  }
0x7d: {  	_ =	swait.ge [sflag:s24], $0x2000  }
0x7e: {  	[sflag:s24] =	ssyncset.done $0x0  }
0x7f: {  	[sflag:s24] =	ssyncadd.s32 $0xFFFFE000  }
0x80: {  	[spmem:s2] =	stream.indirect.scatter.add.f32 [tilespmem:s20], [sflag:$0x5], $0x40, s29, s14, $0xb8;
	[tilespmem:$0x1BC80] =	vst v63  }
0x81: {  	_ =	swait.ge [sflag:s10], $0x2000  }
0x82: {  	s30 =	sadd.s32 $0x1, s30;
	[sflag:s10] =	ssyncset.done $0x0  }
0x83: {  	p0 =	sne.s32 s30, s9;
	[sflag:s10] =	ssyncadd.s32 $0xFFFFE000  }
.Ltmp1:
0x84: {  	[bflag:$0x0] =	sbarrier.arrive $0xFFFF;
	(pc) =	sbr.rel @p0 .LBB2_1-.Ltmp1, $4  }
0x85: {  	[hbm:s8], [sflag:s12] =	dma.local [spmem:s13], $0x1390  }
0x86: {  	_ =	swait.ge [sflag:s10], $0x1390  }
0x87: {  	[sflag:s10] =	ssyncset.done $0x0  }
0x88: {  	[sflag:s10] =	ssyncadd.s32 $0xFFFFEC70  }
0x89: {  	_ =	sfence.sel $0x180000  }
0x8a: {  	[bflag:$0x0] =	sbarrier.arrive $0xFFFF  }
0x8b: {  	_ =	strace $0x90000047  }
0x8c: {  	s0 =	stileid.u32;
	[bflag:$0x2] =	sbarrier.arrive $0xFFFF  }
0x8d: {  	p0 =	sne.s32 s0, $0x0;
	s0 =	rddreg [dreg:$0x3]  }
0x8e: {  	s0 =	sadd.s32 @!p0 $0x100000, s0  }
0x8f: {  	[sflag:s0] =	ssyncadd.tile.s32 @!p0 $0x1;
	_ =	shalt  }
.Lfunc_end2:
_tile_overlayer_lowered:
.L_overlay_start_2:
0x90: {  	(tag) =	ssettag $0x2  }
0x91: {  	s0 =	rddreg [dreg:$0x0];
	s2 =	stileid.u32  }
0x92: {  	s1 =	rddreg [dreg:$0x1];
	p0 =	sne.s32 s2, $0x0  }
0x93: {  	s3 =	rddreg [dreg:$0x2];
	[bflag:$0x3] =	sbarrier.arrive $0xFFFF;
	s2 =	simm.s32 @!p0 $0x1C05  }
0x94: {  	[timem:s3], [sflag:s2] =	dma.local @!p0 [hbm:s0], s1  }
0x95: {  	s0 =	simm.s32 @!p0 $0x5  }
0x96: {  	_ =	swait.ge @!p0 [sflag:s0], s1  }
0x97: {  	s1 =	ssub.s32 @!p0 $0x0, s1;
	[sflag:s0] =	ssyncset.done @!p0 $0x0  }
0x98: {  	[sflag:s0] =	ssyncadd.s32 @!p0 s1  }
0x99: {  	[bflag:$0x3] =	sbarrier.arrive $0xFFFF  }
0x9a: {  	_ =	shalt  }

</sc_bundles>
